<compile_context>
chip_gen: v7x
topology: tpu7x:2x2x1
jax: 0.10.2.dev20260603
libtpu: 0.0.44.dev20260713+nightly
codegen_flags: <defaults>
</compile_context>

<pallas_src>
import functools

import jax
import jax.numpy as jnp
from jax import lax
from jax.experimental import pallas as pl
from jax.experimental.pallas import tpu as pltpu
from jax.experimental.pallas import tpu_sc as plsc

_B, _T, _D = 8, 1024, 1024
_G, _V, _H = 2, 8192, 32
_BT = _B * _T
_RT = 512
_HALF = _BT
_NT = _HALF // _RT


def _tc_body(x_ref, proj_ref, cbt_ref, pad_ref, padt_ref,
             ids_ref, gidx_ref, counts_ref):
    i = pl.program_id(0)

    @pl.when(i == 0)
    def _init():
        counts_ref[...] = jnp.zeros_like(counts_ref)

    p = jnp.dot(x_ref[...].astype(jnp.bfloat16),
                proj_ref[...].astype(jnp.bfloat16),
                preferred_element_type=jnp.float32)
    pad = pad_ref[...]
    padded = pad > 0.0
    wrow = (1.0 - padt_ref[...]).astype(jnp.bfloat16)

    ids_cols = []
    gidx_cols = []
    for g in range(_G):
        cb = cbt_ref[g]
        pg = p[:, g * _H:(g + 1) * _H]
        n = jnp.sqrt(jnp.sum(pg * pg, axis=1, keepdims=True))
        xn = pg / jnp.maximum(n, 1e-12)
        sim = jnp.dot(xn.astype(jnp.bfloat16), cb,
                      preferred_element_type=jnp.float32)
        mx = jnp.max(sim, axis=1, keepdims=True)
        eq = sim == mx
        idx = jnp.argmax(sim, axis=1).reshape(_RT, 1)
        ohbf = jnp.where(eq, 1.0, 0.0).astype(jnp.bfloat16)
        cnt = jnp.dot(wrow, ohbf, preferred_element_type=jnp.float32)
        counts_ref[g:g + 1, :] += cnt
        ids_cols.append(jnp.where(padded, -1, idx))
        gidx_cols.append(idx * _G + g)

    ids_ref[...] = jnp.concatenate(ids_cols, axis=1)
    gidx_ref[...] = jnp.concatenate(gidx_cols, axis=1)


def _tc_quantize(x, proj, cbt, pad2, interpret=False):
    return pl.pallas_call(
        _tc_body,
        grid=(_NT,),
        in_specs=[
            pl.BlockSpec((_RT, _D), lambda i: (i, 0)),
            pl.BlockSpec((_D, _G * _H), lambda i: (0, 0)),
            pl.BlockSpec((_G, _H, _V), lambda i: (0, 0, 0)),
            pl.BlockSpec((_RT, 1), lambda i: (i, 0)),
            pl.BlockSpec((1, _RT), lambda i: (0, i)),
        ],
        out_specs=[
            pl.BlockSpec((_RT, _G), lambda i: (i, 0)),
            pl.BlockSpec((_RT, _G), lambda i: (i, 0)),
            pl.BlockSpec((_G, _V), lambda i: (0, 0)),
        ],
        out_shape=[
            jax.ShapeDtypeStruct((_HALF, _G), jnp.int32),
            jax.ShapeDtypeStruct((_HALF, _G), jnp.int32),
            jax.ShapeDtypeStruct((_G, _V), jnp.float32),
        ],
        interpret=interpret,
    )(x, proj, cbt, pad2, pad2.reshape(1, _HALF))


def _sum_body(ca_ref, pplx_ref, cov_ref):
    c = ca_ref[...]
    num = jnp.maximum(jnp.sum(c[0:1, :], keepdims=True), 1.0)
    probs = c / num
    logp = jnp.log(jnp.maximum(probs, 1e-30))
    ent = -jnp.sum(probs * logp, axis=1, keepdims=True)
    pplx_ref[...] = jnp.mean(jnp.exp(ent), keepdims=True)
    nz = jnp.sum((probs > 0).astype(jnp.float32), axis=1, keepdims=True)
    cov_ref[...] = jnp.mean(nz / _V, keepdims=True)


def _tc_summaries(counts, interpret=False):
    pplx11, cov11 = pl.pallas_call(
        _sum_body,
        out_shape=[
            jax.ShapeDtypeStruct((1, 1), jnp.float32),
            jax.ShapeDtypeStruct((1, 1), jnp.float32),
        ],
        interpret=interpret,
    )(counts)
    return cov11[0, 0], pplx11[0, 0]


_NW = 32
_ROWS_PER_W = _HALF * _G // _NW
_CHUNK = 128
_NCH = _ROWS_PER_W // _CHUNK
_HP = 128


def _sc_gather(table, idx):
    mesh = plsc.VectorSubcoreMesh(core_axis_name="c", subcore_axis_name="s")

    @functools.partial(
        pl.kernel,
        mesh=mesh,
        out_type=jax.ShapeDtypeStruct((_HALF * _G, _HP), jnp.float32),
        scratch_types=[
            pltpu.VMEM((_NCH, _CHUNK), jnp.int32),
            pltpu.VMEM((_ROWS_PER_W, _HP), jnp.float32),
            pltpu.SemaphoreType.DMA,
            pltpu.SemaphoreType.DMA,
            pltpu.SemaphoreType.DMA,
        ],
    )
    def k(table_hbm, idx_hbm, out_hbm, idx_v, rows_v, sem, sem2, sem3):
        wid = lax.axis_index("s") * 2 + lax.axis_index("c")
        base = wid * _ROWS_PER_W
        idx_copies = [
            pltpu.async_copy(idx_hbm.at[pl.ds(base + j * _CHUNK, _CHUNK)],
                             idx_v.at[j], sem2)
            for j in range(_NCH)
        ]
        for c in idx_copies:
            c.wait()
        copies = [
            pltpu.async_copy(
                table_hbm.at[idx_v.at[j]],
                rows_v.at[pl.ds(j * _CHUNK, _CHUNK)],
                sem,
            )
            for j in range(_NCH)
        ]
        out_copies = []
        for j in range(_NCH):
            copies[j].wait()
            out_copies.append(pltpu.async_copy(
                rows_v.at[pl.ds(j * _CHUNK, _CHUNK)],
                out_hbm.at[pl.ds(base + j * _CHUNK, _CHUNK)],
                sem3,
            ))
        for c in out_copies:
            c.wait()

    return k(table, idx)


def kernel(inputs, paddings, proj, codebook):
    b, t, _ = inputs.shape
    v, g, h = codebook.shape
    x = inputs.reshape(_BT, _D)
    pad2 = paddings.reshape(_BT, 1)
    cbt = codebook.transpose(1, 2, 0).astype(jnp.bfloat16)
    table = jnp.pad(codebook.reshape(v * g, h), ((0, 0), (0, _HP - h)))
    ids2, gidx2, counts = _tc_quantize(x, proj, cbt, pad2)
    qflat = _sc_gather(table, gidx2.reshape(-1))
    ids = ids2.reshape(b, t, g)
    quantized = qflat[:, :h].reshape(b, t, g, h)
    coverage, pplx = _tc_summaries(counts)
    return ids, quantized, coverage, pplx

# --- scband reference (transcript-rebuilt; emitter-appended) ---
"""Pipeline reference for scband-random-vector-quantizer-12481174962926 (READ-ONLY COPY).

The authoritative reference and input builder live on the scoring server;
editing this copy changes nothing except your own understanding.
"""

import jax, jax.numpy as jnp
import numpy as np

B, T, D = 8, 1024, 1024
G, V, H = 2, 8192, 32

def _l2_normalize(x, axis=-1, eps=1e-12):
    n = jnp.linalg.norm(x, axis=axis, keepdims=True)
    return x / jnp.maximum(n, eps)

def setup_inputs(seed: int = 0) -> dict:
    key = jax.random.key(seed)
    k1, k2, k3 = jax.random.split(key, 3)
    inputs = jax.random.normal(k1, (B, T, D), dtype=jnp.float32)
    paddings = jnp.zeros((B, T), dtype=jnp.float32)
    proj = jax.random.uniform(k2, (D, G * H), dtype=jnp.float32)
    codebook = jax.random.normal(k3, (V, G, H), dtype=jnp.float32)
    codebook = _l2_normalize(codebook, axis=-1)
    return {"inputs": inputs, "paddings": paddings, "proj": proj, "codebook": codebook}

def reference(inputs, paddings, proj, codebook):
    b, t, _ = inputs.shape
    v, g, h = codebook.shape
    # random projection
    x = jnp.matmul(inputs, proj).reshape(b, t, g, h)
    # normalize inputs (normalize_inputs=True)
    x = _l2_normalize(x, axis=-1)
    # dot-product similarity (codebook is normalized)
    sim = jnp.einsum('btgh,vgh->btgv', x, codebook)
    ids = jnp.argmax(sim, axis=-1)  # [B, T, G]
    # gather nearest codewords: quantized[b,t,g] = codebook[ids[b,t,g], g]
    quantized = codebook[ids, jnp.arange(g)[None, None, :]]  # [B, T, G, H]
    # apply paddings: ids -> -1, quantized -> 0 at padded positions
    pad_mask = paddings > 0
    ids = jnp.where(pad_mask[:, :, None], -1, ids)
    mask = 1.0 - paddings
    quantized = quantized * mask[:, :, None, None]
    # codebook usage summaries (same math as summing one-hots of ids over non-padded frames)
    flat_ids = ids.reshape(-1, g)
    flat_mask = mask.reshape(-1)
    safe_ids = jnp.maximum(flat_ids, 0)  # padded entries contribute 0 weight
    g_idx = jnp.broadcast_to(jnp.arange(g)[None, :], safe_ids.shape)
    counts = jnp.zeros((g, v), dtype=jnp.float32).at[g_idx, safe_ids].add(flat_mask[:, None])
    num_frames = jnp.maximum(jnp.sum(flat_mask), 1.0)
    probs = counts / num_frames  # [G, V]
    log_probs = jnp.log(jnp.maximum(probs, 1e-30))
    entropy = -jnp.sum(probs * log_probs, axis=-1)  # [G]
    pplx = jnp.mean(jnp.exp(entropy))
    coverage = jnp.mean(jnp.sum((probs > 0).astype(jnp.float32), axis=-1) / v)
    return ids, quantized, coverage, pplx

if __name__ == "__main__":
    import jax
    _d = setup_inputs()
    print(jax.jit(kernel)(*tuple(_d.values())))

</pallas_src>

<mosaic_0001>
#map = affine_map<(d0, d1) -> (0, 0)>
#map1 = affine_map<(d0, d1) -> (0)>
module attributes {stable_mosaic.version = 14 : i64} {
  func.func @k(%arg0: i32, %arg1: i32, %arg2: memref<16384x128xf32, #tpu.memory_space<hbm>>, %arg3: memref<16384xi32, #tpu.memory_space<hbm>>, %arg4: memref<16384x128xf32, #tpu.memory_space<hbm>>, %arg5: memref<4x128xi32, #tpu.memory_space<vmem>>, %arg6: memref<512x128xf32, #tpu.memory_space<vmem>>, %arg7: memref<!tpu.dma_semaphore, #tpu.memory_space<semaphore_mem>>, %arg8: memref<!tpu.dma_semaphore, #tpu.memory_space<semaphore_mem>>, %arg9: memref<!tpu.dma_semaphore, #tpu.memory_space<semaphore_mem>>) attributes {dimension_semantics = [#tpu.dimension_semantics<core_parallel>, #tpu.dimension_semantics<subcore_parallel>], iteration_bounds = array<i64: 2, 16>, scalar_prefetch = 0 : i64, scratch_operands = 5 : i64, tpu.core_type = #tpu.core_type<sc_vector_subcore>, window_params = [{transform_indices = #map}, {transform_indices = #map1}, {transform_indices = #map}]} {
    %mul3A = arith.constant 2 : i32
    %mul3A_0 = arith.muli %arg1, %mul3A : i32
    %add3A = arith.addi %mul3A_0, %arg0 : i32
    %mul3A_1 = arith.constant 512 : i32
    %mul3A_2 = arith.muli %add3A, %mul3A_1 : i32
    %add3A_3 = arith.constant 0 : i32
    %add3A_4 = arith.addi %mul3A_2, %add3A_3 : i32
    %dma_start3A = arith.constant 0 : i32
    %dma_start3A_5 = arith.constant 0 : i32
    %dma_start3A_6 = tpu.memref_slice %arg5[%dma_start3A, %dma_start3A_5] : memref<4x128xi32, #tpu.memory_space<vmem>> -> memref<1x128xi32, #tpu.memory_space<vmem>>
    %dma_start3A_7 = tpu.memref_squeeze %dma_start3A_6 : memref<1x128xi32, #tpu.memory_space<vmem>> -> memref<128xi32, #tpu.memory_space<vmem>>
    %dma_start3A_8 = tpu.memref_slice %arg3[%add3A_4] : memref<16384xi32, #tpu.memory_space<hbm>> -> memref<128xi32, #tpu.memory_space<hbm>>
    %dma_start3A_9 = arith.constant 0 : i32
    %dma_start3A_10 = tpu.memref_slice %arg5[%dma_start3A, %dma_start3A_9] : memref<4x128xi32, #tpu.memory_space<vmem>> -> memref<1x128xi32, #tpu.memory_space<vmem>>
    %dma_start3A_11 = tpu.memref_squeeze %dma_start3A_10 : memref<1x128xi32, #tpu.memory_space<vmem>> -> memref<128xi32, #tpu.memory_space<vmem>>
    %dma_start3A_12 = tpu.memref_slice %arg3[%add3A_4] : memref<16384xi32, #tpu.memory_space<hbm>> -> memref<128xi32, #tpu.memory_space<hbm>>
    tpu.enqueue_dma source(%dma_start3A_12 : memref<128xi32, #tpu.memory_space<hbm>>) target(%dma_start3A_11 : memref<128xi32, #tpu.memory_space<vmem>>) target_semaphore(%arg8 : memref<!tpu.dma_semaphore, #tpu.memory_space<semaphore_mem>>)
    %add3A_13 = arith.constant 128 : i32
    %add3A_14 = arith.addi %mul3A_2, %add3A_13 : i32
    %dma_start3A_15 = arith.constant 1 : i32
    %dma_start3A_16 = arith.constant 0 : i32
    %dma_start3A_17 = tpu.memref_slice %arg5[%dma_start3A_15, %dma_start3A_16] : memref<4x128xi32, #tpu.memory_space<vmem>> -> memref<1x128xi32, #tpu.memory_space<vmem>>
    %dma_start3A_18 = tpu.memref_squeeze %dma_start3A_17 : memref<1x128xi32, #tpu.memory_space<vmem>> -> memref<128xi32, #tpu.memory_space<vmem>>
    %dma_start3A_19 = tpu.memref_slice %arg3[%add3A_14] : memref<16384xi32, #tpu.memory_space<hbm>> -> memref<128xi32, #tpu.memory_space<hbm>>
    %dma_start3A_20 = arith.constant 0 : i32
    %dma_start3A_21 = tpu.memref_slice %arg5[%dma_start3A_15, %dma_start3A_20] : memref<4x128xi32, #tpu.memory_space<vmem>> -> memref<1x128xi32, #tpu.memory_space<vmem>>
    %dma_start3A_22 = tpu.memref_squeeze %dma_start3A_21 : memref<1x128xi32, #tpu.memory_space<vmem>> -> memref<128xi32, #tpu.memory_space<vmem>>
    %dma_start3A_23 = tpu.memref_slice %arg3[%add3A_14] : memref<16384xi32, #tpu.memory_space<hbm>> -> memref<128xi32, #tpu.memory_space<hbm>>
    tpu.enqueue_dma source(%dma_start3A_23 : memref<128xi32, #tpu.memory_space<hbm>>) target(%dma_start3A_22 : memref<128xi32, #tpu.memory_space<vmem>>) target_semaphore(%arg8 : memref<!tpu.dma_semaphore, #tpu.memory_space<semaphore_mem>>)
    %add3A_24 = arith.constant 256 : i32
    %add3A_25 = arith.addi %mul3A_2, %add3A_24 : i32
    %dma_start3A_26 = arith.constant 2 : i32
    %dma_start3A_27 = arith.constant 0 : i32
    %dma_start3A_28 = tpu.memref_slice %arg5[%dma_start3A_26, %dma_start3A_27] : memref<4x128xi32, #tpu.memory_space<vmem>> -> memref<1x128xi32, #tpu.memory_space<vmem>>
    %dma_start3A_29 = tpu.memref_squeeze %dma_start3A_28 : memref<1x128xi32, #tpu.memory_space<vmem>> -> memref<128xi32, #tpu.memory_space<vmem>>
    %dma_start3A_30 = tpu.memref_slice %arg3[%add3A_25] : memref<16384xi32, #tpu.memory_space<hbm>> -> memref<128xi32, #tpu.memory_space<hbm>>
    %dma_start3A_31 = arith.constant 0 : i32
    %dma_start3A_32 = tpu.memref_slice %arg5[%dma_start3A_26, %dma_start3A_31] : memref<4x128xi32, #tpu.memory_space<vmem>> -> memref<1x128xi32, #tpu.memory_space<vmem>>
    %dma_start3A_33 = tpu.memref_squeeze %dma_start3A_32 : memref<1x128xi32, #tpu.memory_space<vmem>> -> memref<128xi32, #tpu.memory_space<vmem>>
    %dma_start3A_34 = tpu.memref_slice %arg3[%add3A_25] : memref<16384xi32, #tpu.memory_space<hbm>> -> memref<128xi32, #tpu.memory_space<hbm>>
    tpu.enqueue_dma source(%dma_start3A_34 : memref<128xi32, #tpu.memory_space<hbm>>) target(%dma_start3A_33 : memref<128xi32, #tpu.memory_space<vmem>>) target_semaphore(%arg8 : memref<!tpu.dma_semaphore, #tpu.memory_space<semaphore_mem>>)
    %add3A_35 = arith.constant 384 : i32
    %add3A_36 = arith.addi %mul3A_2, %add3A_35 : i32
    %dma_start3A_37 = arith.constant 3 : i32
    %dma_start3A_38 = arith.constant 0 : i32
    %dma_start3A_39 = tpu.memref_slice %arg5[%dma_start3A_37, %dma_start3A_38] : memref<4x128xi32, #tpu.memory_space<vmem>> -> memref<1x128xi32, #tpu.memory_space<vmem>>
    %dma_start3A_40 = tpu.memref_squeeze %dma_start3A_39 : memref<1x128xi32, #tpu.memory_space<vmem>> -> memref<128xi32, #tpu.memory_space<vmem>>
    %dma_start3A_41 = tpu.memref_slice %arg3[%add3A_36] : memref<16384xi32, #tpu.memory_space<hbm>> -> memref<128xi32, #tpu.memory_space<hbm>>
    %dma_start3A_42 = arith.constant 0 : i32
    %dma_start3A_43 = tpu.memref_slice %arg5[%dma_start3A_37, %dma_start3A_42] : memref<4x128xi32, #tpu.memory_space<vmem>> -> memref<1x128xi32, #tpu.memory_space<vmem>>
    %dma_start3A_44 = tpu.memref_squeeze %dma_start3A_43 : memref<1x128xi32, #tpu.memory_space<vmem>> -> memref<128xi32, #tpu.memory_space<vmem>>
    %dma_start3A_45 = tpu.memref_slice %arg3[%add3A_36] : memref<16384xi32, #tpu.memory_space<hbm>> -> memref<128xi32, #tpu.memory_space<hbm>>
    tpu.enqueue_dma source(%dma_start3A_45 : memref<128xi32, #tpu.memory_space<hbm>>) target(%dma_start3A_44 : memref<128xi32, #tpu.memory_space<vmem>>) target_semaphore(%arg8 : memref<!tpu.dma_semaphore, #tpu.memory_space<semaphore_mem>>)
    %dma_wait3A = arith.constant 0 : i32
    %dma_wait3A_46 = arith.constant 0 : i32
    %dma_wait3A_47 = tpu.memref_slice %arg5[%dma_wait3A, %dma_wait3A_46] : memref<4x128xi32, #tpu.memory_space<vmem>> -> memref<1x128xi32, #tpu.memory_space<vmem>>
    %dma_wait3A_48 = tpu.memref_squeeze %dma_wait3A_47 : memref<1x128xi32, #tpu.memory_space<vmem>> -> memref<128xi32, #tpu.memory_space<vmem>>
    %dma_wait3A_49 = tpu.memref_slice %arg3[%add3A_4] : memref<16384xi32, #tpu.memory_space<hbm>> -> memref<128xi32, #tpu.memory_space<hbm>>
    %dma_wait3A_50 = arith.constant 0 : i32
    %dma_wait3A_51 = tpu.memref_slice %arg5[%dma_wait3A, %dma_wait3A_50] : memref<4x128xi32, #tpu.memory_space<vmem>> -> memref<1x128xi32, #tpu.memory_space<vmem>>
    %dma_wait3A_52 = tpu.memref_squeeze %dma_wait3A_51 : memref<1x128xi32, #tpu.memory_space<vmem>> -> memref<128xi32, #tpu.memory_space<vmem>>
    %dma_wait3A_53 = tpu.memref_slice %arg3[%add3A_4] : memref<16384xi32, #tpu.memory_space<hbm>> -> memref<128xi32, #tpu.memory_space<hbm>>
    tpu.wait_dma2 semaphore(%arg8 : memref<!tpu.dma_semaphore, #tpu.memory_space<semaphore_mem>>) src(%dma_wait3A_53 : memref<128xi32, #tpu.memory_space<hbm>>) dst(%dma_wait3A_52 : memref<128xi32, #tpu.memory_space<vmem>>)
    %dma_wait3A_54 = arith.constant 1 : i32
    %dma_wait3A_55 = arith.constant 0 : i32
    %dma_wait3A_56 = tpu.memref_slice %arg5[%dma_wait3A_54, %dma_wait3A_55] : memref<4x128xi32, #tpu.memory_space<vmem>> -> memref<1x128xi32, #tpu.memory_space<vmem>>
    %dma_wait3A_57 = tpu.memref_squeeze %dma_wait3A_56 : memref<1x128xi32, #tpu.memory_space<vmem>> -> memref<128xi32, #tpu.memory_space<vmem>>
    %dma_wait3A_58 = tpu.memref_slice %arg3[%add3A_14] : memref<16384xi32, #tpu.memory_space<hbm>> -> memref<128xi32, #tpu.memory_space<hbm>>
    %dma_wait3A_59 = arith.constant 0 : i32
    %dma_wait3A_60 = tpu.memref_slice %arg5[%dma_wait3A_54, %dma_wait3A_59] : memref<4x128xi32, #tpu.memory_space<vmem>> -> memref<1x128xi32, #tpu.memory_space<vmem>>
    %dma_wait3A_61 = tpu.memref_squeeze %dma_wait3A_60 : memref<1x128xi32, #tpu.memory_space<vmem>> -> memref<128xi32, #tpu.memory_space<vmem>>
    %dma_wait3A_62 = tpu.memref_slice %arg3[%add3A_14] : memref<16384xi32, #tpu.memory_space<hbm>> -> memref<128xi32, #tpu.memory_space<hbm>>
    tpu.wait_dma2 semaphore(%arg8 : memref<!tpu.dma_semaphore, #tpu.memory_space<semaphore_mem>>) src(%dma_wait3A_62 : memref<128xi32, #tpu.memory_space<hbm>>) dst(%dma_wait3A_61 : memref<128xi32, #tpu.memory_space<vmem>>)
    %dma_wait3A_63 = arith.constant 2 : i32
    %dma_wait3A_64 = arith.constant 0 : i32
    %dma_wait3A_65 = tpu.memref_slice %arg5[%dma_wait3A_63, %dma_wait3A_64] : memref<4x128xi32, #tpu.memory_space<vmem>> -> memref<1x128xi32, #tpu.memory_space<vmem>>
    %dma_wait3A_66 = tpu.memref_squeeze %dma_wait3A_65 : memref<1x128xi32, #tpu.memory_space<vmem>> -> memref<128xi32, #tpu.memory_space<vmem>>
    %dma_wait3A_67 = tpu.memref_slice %arg3[%add3A_25] : memref<16384xi32, #tpu.memory_space<hbm>> -> memref<128xi32, #tpu.memory_space<hbm>>
    %dma_wait3A_68 = arith.constant 0 : i32
    %dma_wait3A_69 = tpu.memref_slice %arg5[%dma_wait3A_63, %dma_wait3A_68] : memref<4x128xi32, #tpu.memory_space<vmem>> -> memref<1x128xi32, #tpu.memory_space<vmem>>
    %dma_wait3A_70 = tpu.memref_squeeze %dma_wait3A_69 : memref<1x128xi32, #tpu.memory_space<vmem>> -> memref<128xi32, #tpu.memory_space<vmem>>
    %dma_wait3A_71 = tpu.memref_slice %arg3[%add3A_25] : memref<16384xi32, #tpu.memory_space<hbm>> -> memref<128xi32, #tpu.memory_space<hbm>>
    tpu.wait_dma2 semaphore(%arg8 : memref<!tpu.dma_semaphore, #tpu.memory_space<semaphore_mem>>) src(%dma_wait3A_71 : memref<128xi32, #tpu.memory_space<hbm>>) dst(%dma_wait3A_70 : memref<128xi32, #tpu.memory_space<vmem>>)
    %dma_wait3A_72 = arith.constant 3 : i32
    %dma_wait3A_73 = arith.constant 0 : i32
    %dma_wait3A_74 = tpu.memref_slice %arg5[%dma_wait3A_72, %dma_wait3A_73] : memref<4x128xi32, #tpu.memory_space<vmem>> -> memref<1x128xi32, #tpu.memory_space<vmem>>
    %dma_wait3A_75 = tpu.memref_squeeze %dma_wait3A_74 : memref<1x128xi32, #tpu.memory_space<vmem>> -> memref<128xi32, #tpu.memory_space<vmem>>
    %dma_wait3A_76 = tpu.memref_slice %arg3[%add3A_36] : memref<16384xi32, #tpu.memory_space<hbm>> -> memref<128xi32, #tpu.memory_space<hbm>>
    %dma_wait3A_77 = arith.constant 0 : i32
    %dma_wait3A_78 = tpu.memref_slice %arg5[%dma_wait3A_72, %dma_wait3A_77] : memref<4x128xi32, #tpu.memory_space<vmem>> -> memref<1x128xi32, #tpu.memory_space<vmem>>
    %dma_wait3A_79 = tpu.memref_squeeze %dma_wait3A_78 : memref<1x128xi32, #tpu.memory_space<vmem>> -> memref<128xi32, #tpu.memory_space<vmem>>
    %dma_wait3A_80 = tpu.memref_slice %arg3[%add3A_36] : memref<16384xi32, #tpu.memory_space<hbm>> -> memref<128xi32, #tpu.memory_space<hbm>>
    tpu.wait_dma2 semaphore(%arg8 : memref<!tpu.dma_semaphore, #tpu.memory_space<semaphore_mem>>) src(%dma_wait3A_80 : memref<128xi32, #tpu.memory_space<hbm>>) dst(%dma_wait3A_79 : memref<128xi32, #tpu.memory_space<vmem>>)
    %dma_start3A_81 = arith.constant 0 : i32
    %dma_start3A_82 = arith.constant 0 : i32
    %dma_start3A_83 = arith.constant 0 : i32
    %dma_start3A_84 = tpu.memref_slice %arg6[%dma_start3A_82, %dma_start3A_83] : memref<512x128xf32, #tpu.memory_space<vmem>> -> memref<128x128xf32, #tpu.memory_space<vmem>>
    %dma_start3A_85 = arith.constant 0 : i32
    %dma_start3A_86 = tpu.memref_slice %arg5[%dma_start3A_81, %dma_start3A_85] : memref<4x128xi32, #tpu.memory_space<vmem>> -> memref<1x128xi32, #tpu.memory_space<vmem>>
    %dma_start3A_87 = tpu.memref_squeeze %dma_start3A_86 : memref<1x128xi32, #tpu.memory_space<vmem>> -> memref<128xi32, #tpu.memory_space<vmem>>
    %dma_start3A_88 = arith.constant 0 : i32
    %dma_start3A_89 = arith.constant 0 : i32
    %dma_start3A_90 = tpu.memref_slice %arg2[%dma_start3A_88, %dma_start3A_89] : memref<16384x128xf32, #tpu.memory_space<hbm>> -> memref<16384x128xf32, #tpu.memory_space<hbm>>
    tpu.enqueue_indirect_dma source(%dma_start3A_90 : memref<16384x128xf32, #tpu.memory_space<hbm>>) target(%dma_start3A_84 : memref<128x128xf32, #tpu.memory_space<vmem>>) offsets(%dma_start3A_87 : memref<128xi32, #tpu.memory_space<vmem>>) semaphore(%arg7 : memref<!tpu.dma_semaphore, #tpu.memory_space<semaphore_mem>>)
    %dma_start3A_91 = arith.constant 1 : i32
    %dma_start3A_92 = arith.constant 128 : i32
    %dma_start3A_93 = arith.constant 0 : i32
    %dma_start3A_94 = tpu.memref_slice %arg6[%dma_start3A_92, %dma_start3A_93] : memref<512x128xf32, #tpu.memory_space<vmem>> -> memref<128x128xf32, #tpu.memory_space<vmem>>
    %dma_start3A_95 = arith.constant 0 : i32
    %dma_start3A_96 = tpu.memref_slice %arg5[%dma_start3A_91, %dma_start3A_95] : memref<4x128xi32, #tpu.memory_space<vmem>> -> memref<1x128xi32, #tpu.memory_space<vmem>>
    %dma_start3A_97 = tpu.memref_squeeze %dma_start3A_96 : memref<1x128xi32, #tpu.memory_space<vmem>> -> memref<128xi32, #tpu.memory_space<vmem>>
    %dma_start3A_98 = arith.constant 0 : i32
    %dma_start3A_99 = arith.constant 0 : i32
    %dma_start3A_100 = tpu.memref_slice %arg2[%dma_start3A_98, %dma_start3A_99] : memref<16384x128xf32, #tpu.memory_space<hbm>> -> memref<16384x128xf32, #tpu.memory_space<hbm>>
    tpu.enqueue_indirect_dma source(%dma_start3A_100 : memref<16384x128xf32, #tpu.memory_space<hbm>>) target(%dma_start3A_94 : memref<128x128xf32, #tpu.memory_space<vmem>>) offsets(%dma_start3A_97 : memref<128xi32, #tpu.memory_space<vmem>>) semaphore(%arg7 : memref<!tpu.dma_semaphore, #tpu.memory_space<semaphore_mem>>)
    %dma_start3A_101 = arith.constant 2 : i32
    %dma_start3A_102 = arith.constant 256 : i32
    %dma_start3A_103 = arith.constant 0 : i32
    %dma_start3A_104 = tpu.memref_slice %arg6[%dma_start3A_102, %dma_start3A_103] : memref<512x128xf32, #tpu.memory_space<vmem>> -> memref<128x128xf32, #tpu.memory_space<vmem>>
    %dma_start3A_105 = arith.constant 0 : i32
    %dma_start3A_106 = tpu.memref_slice %arg5[%dma_start3A_101, %dma_start3A_105] : memref<4x128xi32, #tpu.memory_space<vmem>> -> memref<1x128xi32, #tpu.memory_space<vmem>>
    %dma_start3A_107 = tpu.memref_squeeze %dma_start3A_106 : memref<1x128xi32, #tpu.memory_space<vmem>> -> memref<128xi32, #tpu.memory_space<vmem>>
    %dma_start3A_108 = arith.constant 0 : i32
    %dma_start3A_109 = arith.constant 0 : i32
    %dma_start3A_110 = tpu.memref_slice %arg2[%dma_start3A_108, %dma_start3A_109] : memref<16384x128xf32, #tpu.memory_space<hbm>> -> memref<16384x128xf32, #tpu.memory_space<hbm>>
    tpu.enqueue_indirect_dma source(%dma_start3A_110 : memref<16384x128xf32, #tpu.memory_space<hbm>>) target(%dma_start3A_104 : memref<128x128xf32, #tpu.memory_space<vmem>>) offsets(%dma_start3A_107 : memref<128xi32, #tpu.memory_space<vmem>>) semaphore(%arg7 : memref<!tpu.dma_semaphore, #tpu.memory_space<semaphore_mem>>)
    %dma_start3A_111 = arith.constant 3 : i32
    %dma_start3A_112 = arith.constant 384 : i32
    %dma_start3A_113 = arith.constant 0 : i32
    %dma_start3A_114 = tpu.memref_slice %arg6[%dma_start3A_112, %dma_start3A_113] : memref<512x128xf32, #tpu.memory_space<vmem>> -> memref<128x128xf32, #tpu.memory_space<vmem>>
    %dma_start3A_115 = arith.constant 0 : i32
    %dma_start3A_116 = tpu.memref_slice %arg5[%dma_start3A_111, %dma_start3A_115] : memref<4x128xi32, #tpu.memory_space<vmem>> -> memref<1x128xi32, #tpu.memory_space<vmem>>
    %dma_start3A_117 = tpu.memref_squeeze %dma_start3A_116 : memref<1x128xi32, #tpu.memory_space<vmem>> -> memref<128xi32, #tpu.memory_space<vmem>>
    %dma_start3A_118 = arith.constant 0 : i32
    %dma_start3A_119 = arith.constant 0 : i32
    %dma_start3A_120 = tpu.memref_slice %arg2[%dma_start3A_118, %dma_start3A_119] : memref<16384x128xf32, #tpu.memory_space<hbm>> -> memref<16384x128xf32, #tpu.memory_space<hbm>>
    tpu.enqueue_indirect_dma source(%dma_start3A_120 : memref<16384x128xf32, #tpu.memory_space<hbm>>) target(%dma_start3A_114 : memref<128x128xf32, #tpu.memory_space<vmem>>) offsets(%dma_start3A_117 : memref<128xi32, #tpu.memory_space<vmem>>) semaphore(%arg7 : memref<!tpu.dma_semaphore, #tpu.memory_space<semaphore_mem>>)
    %dma_wait3A_121 = arith.constant 0 : i32
    %dma_wait3A_122 = arith.constant 0 : i32
    %dma_wait3A_123 = arith.constant 0 : i32
    %dma_wait3A_124 = tpu.memref_slice %arg6[%dma_wait3A_122, %dma_wait3A_123] : memref<512x128xf32, #tpu.memory_space<vmem>> -> memref<128x128xf32, #tpu.memory_space<vmem>>
    %dma_wait3A_125 = arith.constant 0 : i32
    %dma_wait3A_126 = tpu.memref_slice %arg5[%dma_wait3A_121, %dma_wait3A_125] : memref<4x128xi32, #tpu.memory_space<vmem>> -> memref<1x128xi32, #tpu.memory_space<vmem>>
    %dma_wait3A_127 = tpu.memref_squeeze %dma_wait3A_126 : memref<1x128xi32, #tpu.memory_space<vmem>> -> memref<128xi32, #tpu.memory_space<vmem>>
    %dma_wait3A_128 = arith.constant 0 : i32
    %dma_wait3A_129 = arith.constant 0 : i32
    %dma_wait3A_130 = tpu.memref_slice %arg2[%dma_wait3A_128, %dma_wait3A_129] : memref<16384x128xf32, #tpu.memory_space<hbm>> -> memref<16384x128xf32, #tpu.memory_space<hbm>>
    tpu.wait_indirect_dma semaphore(%arg7 : memref<!tpu.dma_semaphore, #tpu.memory_space<semaphore_mem>>) src(%dma_wait3A_130 : memref<16384x128xf32, #tpu.memory_space<hbm>>) dst(%dma_wait3A_124 : memref<128x128xf32, #tpu.memory_space<vmem>>)
    %add3A_131 = arith.constant 0 : i32
    %add3A_132 = arith.addi %mul3A_2, %add3A_131 : i32
    %dma_start3A_133 = arith.constant 0 : i32
    %dma_start3A_134 = arith.constant 0 : i32
    %dma_start3A_135 = tpu.memref_slice %arg6[%dma_start3A_133, %dma_start3A_134] : memref<512x128xf32, #tpu.memory_space<vmem>> -> memref<128x128xf32, #tpu.memory_space<vmem>>
    %dma_start3A_136 = arith.constant 0 : i32
    %dma_start3A_137 = tpu.memref_slice %arg4[%add3A_132, %dma_start3A_136] : memref<16384x128xf32, #tpu.memory_space<hbm>> -> memref<128x128xf32, #tpu.memory_space<hbm>>
    %dma_start3A_138 = arith.constant 0 : i32
    %dma_start3A_139 = tpu.memref_slice %arg4[%add3A_132, %dma_start3A_138] : memref<16384x128xf32, #tpu.memory_space<hbm>> -> memref<128x128xf32, #tpu.memory_space<hbm>>
    %dma_start3A_140 = arith.constant 0 : i32
    %dma_start3A_141 = arith.constant 0 : i32
    %dma_start3A_142 = tpu.memref_slice %arg6[%dma_start3A_140, %dma_start3A_141] : memref<512x128xf32, #tpu.memory_space<vmem>> -> memref<128x128xf32, #tpu.memory_space<vmem>>
    tpu.enqueue_dma source(%dma_start3A_142 : memref<128x128xf32, #tpu.memory_space<vmem>>) target(%dma_start3A_139 : memref<128x128xf32, #tpu.memory_space<hbm>>) target_semaphore(%arg9 : memref<!tpu.dma_semaphore, #tpu.memory_space<semaphore_mem>>)
    %dma_wait3A_143 = arith.constant 1 : i32
    %dma_wait3A_144 = arith.constant 128 : i32
    %dma_wait3A_145 = arith.constant 0 : i32
    %dma_wait3A_146 = tpu.memref_slice %arg6[%dma_wait3A_144, %dma_wait3A_145] : memref<512x128xf32, #tpu.memory_space<vmem>> -> memref<128x128xf32, #tpu.memory_space<vmem>>
    %dma_wait3A_147 = arith.constant 0 : i32
    %dma_wait3A_148 = tpu.memref_slice %arg5[%dma_wait3A_143, %dma_wait3A_147] : memref<4x128xi32, #tpu.memory_space<vmem>> -> memref<1x128xi32, #tpu.memory_space<vmem>>
    %dma_wait3A_149 = tpu.memref_squeeze %dma_wait3A_148 : memref<1x128xi32, #tpu.memory_space<vmem>> -> memref<128xi32, #tpu.memory_space<vmem>>
    %dma_wait3A_150 = arith.constant 0 : i32
    %dma_wait3A_151 = arith.constant 0 : i32
    %dma_wait3A_152 = tpu.memref_slice %arg2[%dma_wait3A_150, %dma_wait3A_151] : memref<16384x128xf32, #tpu.memory_space<hbm>> -> memref<16384x128xf32, #tpu.memory_space<hbm>>
    tpu.wait_indirect_dma semaphore(%arg7 : memref<!tpu.dma_semaphore, #tpu.memory_space<semaphore_mem>>) src(%dma_wait3A_152 : memref<16384x128xf32, #tpu.memory_space<hbm>>) dst(%dma_wait3A_146 : memref<128x128xf32, #tpu.memory_space<vmem>>)
    %add3A_153 = arith.constant 128 : i32
    %add3A_154 = arith.addi %mul3A_2, %add3A_153 : i32
    %dma_start3A_155 = arith.constant 128 : i32
    %dma_start3A_156 = arith.constant 0 : i32
    %dma_start3A_157 = tpu.memref_slice %arg6[%dma_start3A_155, %dma_start3A_156] : memref<512x128xf32, #tpu.memory_space<vmem>> -> memref<128x128xf32, #tpu.memory_space<vmem>>
    %dma_start3A_158 = arith.constant 0 : i32
    %dma_start3A_159 = tpu.memref_slice %arg4[%add3A_154, %dma_start3A_158] : memref<16384x128xf32, #tpu.memory_space<hbm>> -> memref<128x128xf32, #tpu.memory_space<hbm>>
    %dma_start3A_160 = arith.constant 0 : i32
    %dma_start3A_161 = tpu.memref_slice %arg4[%add3A_154, %dma_start3A_160] : memref<16384x128xf32, #tpu.memory_space<hbm>> -> memref<128x128xf32, #tpu.memory_space<hbm>>
    %dma_start3A_162 = arith.constant 128 : i32
    %dma_start3A_163 = arith.constant 0 : i32
    %dma_start3A_164 = tpu.memref_slice %arg6[%dma_start3A_162, %dma_start3A_163] : memref<512x128xf32, #tpu.memory_space<vmem>> -> memref<128x128xf32, #tpu.memory_space<vmem>>
    tpu.enqueue_dma source(%dma_start3A_164 : memref<128x128xf32, #tpu.memory_space<vmem>>) target(%dma_start3A_161 : memref<128x128xf32, #tpu.memory_space<hbm>>) target_semaphore(%arg9 : memref<!tpu.dma_semaphore, #tpu.memory_space<semaphore_mem>>)
    %dma_wait3A_165 = arith.constant 2 : i32
    %dma_wait3A_166 = arith.constant 256 : i32
    %dma_wait3A_167 = arith.constant 0 : i32
    %dma_wait3A_168 = tpu.memref_slice %arg6[%dma_wait3A_166, %dma_wait3A_167] : memref<512x128xf32, #tpu.memory_space<vmem>> -> memref<128x128xf32, #tpu.memory_space<vmem>>
    %dma_wait3A_169 = arith.constant 0 : i32
    %dma_wait3A_170 = tpu.memref_slice %arg5[%dma_wait3A_165, %dma_wait3A_169] : memref<4x128xi32, #tpu.memory_space<vmem>> -> memref<1x128xi32, #tpu.memory_space<vmem>>
    %dma_wait3A_171 = tpu.memref_squeeze %dma_wait3A_170 : memref<1x128xi32, #tpu.memory_space<vmem>> -> memref<128xi32, #tpu.memory_space<vmem>>
    %dma_wait3A_172 = arith.constant 0 : i32
    %dma_wait3A_173 = arith.constant 0 : i32
    %dma_wait3A_174 = tpu.memref_slice %arg2[%dma_wait3A_172, %dma_wait3A_173] : memref<16384x128xf32, #tpu.memory_space<hbm>> -> memref<16384x128xf32, #tpu.memory_space<hbm>>
    tpu.wait_indirect_dma semaphore(%arg7 : memref<!tpu.dma_semaphore, #tpu.memory_space<semaphore_mem>>) src(%dma_wait3A_174 : memref<16384x128xf32, #tpu.memory_space<hbm>>) dst(%dma_wait3A_168 : memref<128x128xf32, #tpu.memory_space<vmem>>)
    %add3A_175 = arith.constant 256 : i32
    %add3A_176 = arith.addi %mul3A_2, %add3A_175 : i32
    %dma_start3A_177 = arith.constant 256 : i32
    %dma_start3A_178 = arith.constant 0 : i32
    %dma_start3A_179 = tpu.memref_slice %arg6[%dma_start3A_177, %dma_start3A_178] : memref<512x128xf32, #tpu.memory_space<vmem>> -> memref<128x128xf32, #tpu.memory_space<vmem>>
    %dma_start3A_180 = arith.constant 0 : i32
    %dma_start3A_181 = tpu.memref_slice %arg4[%add3A_176, %dma_start3A_180] : memref<16384x128xf32, #tpu.memory_space<hbm>> -> memref<128x128xf32, #tpu.memory_space<hbm>>
    %dma_start3A_182 = arith.constant 0 : i32
    %dma_start3A_183 = tpu.memref_slice %arg4[%add3A_176, %dma_start3A_182] : memref<16384x128xf32, #tpu.memory_space<hbm>> -> memref<128x128xf32, #tpu.memory_space<hbm>>
    %dma_start3A_184 = arith.constant 256 : i32
    %dma_start3A_185 = arith.constant 0 : i32
    %dma_start3A_186 = tpu.memref_slice %arg6[%dma_start3A_184, %dma_start3A_185] : memref<512x128xf32, #tpu.memory_space<vmem>> -> memref<128x128xf32, #tpu.memory_space<vmem>>
    tpu.enqueue_dma source(%dma_start3A_186 : memref<128x128xf32, #tpu.memory_space<vmem>>) target(%dma_start3A_183 : memref<128x128xf32, #tpu.memory_space<hbm>>) target_semaphore(%arg9 : memref<!tpu.dma_semaphore, #tpu.memory_space<semaphore_mem>>)
    %dma_wait3A_187 = arith.constant 3 : i32
    %dma_wait3A_188 = arith.constant 384 : i32
    %dma_wait3A_189 = arith.constant 0 : i32
    %dma_wait3A_190 = tpu.memref_slice %arg6[%dma_wait3A_188, %dma_wait3A_189] : memref<512x128xf32, #tpu.memory_space<vmem>> -> memref<128x128xf32, #tpu.memory_space<vmem>>
    %dma_wait3A_191 = arith.constant 0 : i32
    %dma_wait3A_192 = tpu.memref_slice %arg5[%dma_wait3A_187, %dma_wait3A_191] : memref<4x128xi32, #tpu.memory_space<vmem>> -> memref<1x128xi32, #tpu.memory_space<vmem>>
    %dma_wait3A_193 = tpu.memref_squeeze %dma_wait3A_192 : memref<1x128xi32, #tpu.memory_space<vmem>> -> memref<128xi32, #tpu.memory_space<vmem>>
    %dma_wait3A_194 = arith.constant 0 : i32
    %dma_wait3A_195 = arith.constant 0 : i32
    %dma_wait3A_196 = tpu.memref_slice %arg2[%dma_wait3A_194, %dma_wait3A_195] : memref<16384x128xf32, #tpu.memory_space<hbm>> -> memref<16384x128xf32, #tpu.memory_space<hbm>>
    tpu.wait_indirect_dma semaphore(%arg7 : memref<!tpu.dma_semaphore, #tpu.memory_space<semaphore_mem>>) src(%dma_wait3A_196 : memref<16384x128xf32, #tpu.memory_space<hbm>>) dst(%dma_wait3A_190 : memref<128x128xf32, #tpu.memory_space<vmem>>)
    %add3A_197 = arith.constant 384 : i32
    %add3A_198 = arith.addi %mul3A_2, %add3A_197 : i32
    %dma_start3A_199 = arith.constant 384 : i32
    %dma_start3A_200 = arith.constant 0 : i32
    %dma_start3A_201 = tpu.memref_slice %arg6[%dma_start3A_199, %dma_start3A_200] : memref<512x128xf32, #tpu.memory_space<vmem>> -> memref<128x128xf32, #tpu.memory_space<vmem>>
    %dma_start3A_202 = arith.constant 0 : i32
    %dma_start3A_203 = tpu.memref_slice %arg4[%add3A_198, %dma_start3A_202] : memref<16384x128xf32, #tpu.memory_space<hbm>> -> memref<128x128xf32, #tpu.memory_space<hbm>>
    %dma_start3A_204 = arith.constant 0 : i32
    %dma_start3A_205 = tpu.memref_slice %arg4[%add3A_198, %dma_start3A_204] : memref<16384x128xf32, #tpu.memory_space<hbm>> -> memref<128x128xf32, #tpu.memory_space<hbm>>
    %dma_start3A_206 = arith.constant 384 : i32
    %dma_start3A_207 = arith.constant 0 : i32
    %dma_start3A_208 = tpu.memref_slice %arg6[%dma_start3A_206, %dma_start3A_207] : memref<512x128xf32, #tpu.memory_space<vmem>> -> memref<128x128xf32, #tpu.memory_space<vmem>>
    tpu.enqueue_dma source(%dma_start3A_208 : memref<128x128xf32, #tpu.memory_space<vmem>>) target(%dma_start3A_205 : memref<128x128xf32, #tpu.memory_space<hbm>>) target_semaphore(%arg9 : memref<!tpu.dma_semaphore, #tpu.memory_space<semaphore_mem>>)
    %dma_wait3A_209 = arith.constant 0 : i32
    %dma_wait3A_210 = arith.constant 0 : i32
    %dma_wait3A_211 = tpu.memref_slice %arg6[%dma_wait3A_209, %dma_wait3A_210] : memref<512x128xf32, #tpu.memory_space<vmem>> -> memref<128x128xf32, #tpu.memory_space<vmem>>
    %dma_wait3A_212 = arith.constant 0 : i32
    %dma_wait3A_213 = tpu.memref_slice %arg4[%add3A_132, %dma_wait3A_212] : memref<16384x128xf32, #tpu.memory_space<hbm>> -> memref<128x128xf32, #tpu.memory_space<hbm>>
    %dma_wait3A_214 = arith.constant 0 : i32
    %dma_wait3A_215 = tpu.memref_slice %arg4[%add3A_132, %dma_wait3A_214] : memref<16384x128xf32, #tpu.memory_space<hbm>> -> memref<128x128xf32, #tpu.memory_space<hbm>>
    %dma_wait3A_216 = arith.constant 0 : i32
    %dma_wait3A_217 = arith.constant 0 : i32
    %dma_wait3A_218 = tpu.memref_slice %arg6[%dma_wait3A_216, %dma_wait3A_217] : memref<512x128xf32, #tpu.memory_space<vmem>> -> memref<128x128xf32, #tpu.memory_space<vmem>>
    tpu.wait_dma2 semaphore(%arg9 : memref<!tpu.dma_semaphore, #tpu.memory_space<semaphore_mem>>) src(%dma_wait3A_218 : memref<128x128xf32, #tpu.memory_space<vmem>>) dst(%dma_wait3A_215 : memref<128x128xf32, #tpu.memory_space<hbm>>)
    %dma_wait3A_219 = arith.constant 128 : i32
    %dma_wait3A_220 = arith.constant 0 : i32
    %dma_wait3A_221 = tpu.memref_slice %arg6[%dma_wait3A_219, %dma_wait3A_220] : memref<512x128xf32, #tpu.memory_space<vmem>> -> memref<128x128xf32, #tpu.memory_space<vmem>>
    %dma_wait3A_222 = arith.constant 0 : i32
    %dma_wait3A_223 = tpu.memref_slice %arg4[%add3A_154, %dma_wait3A_222] : memref<16384x128xf32, #tpu.memory_space<hbm>> -> memref<128x128xf32, #tpu.memory_space<hbm>>
    %dma_wait3A_224 = arith.constant 0 : i32
    %dma_wait3A_225 = tpu.memref_slice %arg4[%add3A_154, %dma_wait3A_224] : memref<16384x128xf32, #tpu.memory_space<hbm>> -> memref<128x128xf32, #tpu.memory_space<hbm>>
    %dma_wait3A_226 = arith.constant 128 : i32
    %dma_wait3A_227 = arith.constant 0 : i32
    %dma_wait3A_228 = tpu.memref_slice %arg6[%dma_wait3A_226, %dma_wait3A_227] : memref<512x128xf32, #tpu.memory_space<vmem>> -> memref<128x128xf32, #tpu.memory_space<vmem>>
    tpu.wait_dma2 semaphore(%arg9 : memref<!tpu.dma_semaphore, #tpu.memory_space<semaphore_mem>>) src(%dma_wait3A_228 : memref<128x128xf32, #tpu.memory_space<vmem>>) dst(%dma_wait3A_225 : memref<128x128xf32, #tpu.memory_space<hbm>>)
    %dma_wait3A_229 = arith.constant 256 : i32
    %dma_wait3A_230 = arith.constant 0 : i32
    %dma_wait3A_231 = tpu.memref_slice %arg6[%dma_wait3A_229, %dma_wait3A_230] : memref<512x128xf32, #tpu.memory_space<vmem>> -> memref<128x128xf32, #tpu.memory_space<vmem>>
    %dma_wait3A_232 = arith.constant 0 : i32
    %dma_wait3A_233 = tpu.memref_slice %arg4[%add3A_176, %dma_wait3A_232] : memref<16384x128xf32, #tpu.memory_space<hbm>> -> memref<128x128xf32, #tpu.memory_space<hbm>>
    %dma_wait3A_234 = arith.constant 0 : i32
    %dma_wait3A_235 = tpu.memref_slice %arg4[%add3A_176, %dma_wait3A_234] : memref<16384x128xf32, #tpu.memory_space<hbm>> -> memref<128x128xf32, #tpu.memory_space<hbm>>
    %dma_wait3A_236 = arith.constant 256 : i32
    %dma_wait3A_237 = arith.constant 0 : i32
    %dma_wait3A_238 = tpu.memref_slice %arg6[%dma_wait3A_236, %dma_wait3A_237] : memref<512x128xf32, #tpu.memory_space<vmem>> -> memref<128x128xf32, #tpu.memory_space<vmem>>
    tpu.wait_dma2 semaphore(%arg9 : memref<!tpu.dma_semaphore, #tpu.memory_space<semaphore_mem>>) src(%dma_wait3A_238 : memref<128x128xf32, #tpu.memory_space<vmem>>) dst(%dma_wait3A_235 : memref<128x128xf32, #tpu.memory_space<hbm>>)
    %dma_wait3A_239 = arith.constant 384 : i32
    %dma_wait3A_240 = arith.constant 0 : i32
    %dma_wait3A_241 = tpu.memref_slice %arg6[%dma_wait3A_239, %dma_wait3A_240] : memref<512x128xf32, #tpu.memory_space<vmem>> -> memref<128x128xf32, #tpu.memory_space<vmem>>
    %dma_wait3A_242 = arith.constant 0 : i32
    %dma_wait3A_243 = tpu.memref_slice %arg4[%add3A_198, %dma_wait3A_242] : memref<16384x128xf32, #tpu.memory_space<hbm>> -> memref<128x128xf32, #tpu.memory_space<hbm>>
    %dma_wait3A_244 = arith.constant 0 : i32
    %dma_wait3A_245 = tpu.memref_slice %arg4[%add3A_198, %dma_wait3A_244] : memref<16384x128xf32, #tpu.memory_space<hbm>> -> memref<128x128xf32, #tpu.memory_space<hbm>>
    %dma_wait3A_246 = arith.constant 384 : i32
    %dma_wait3A_247 = arith.constant 0 : i32
    %dma_wait3A_248 = tpu.memref_slice %arg6[%dma_wait3A_246, %dma_wait3A_247] : memref<512x128xf32, #tpu.memory_space<vmem>> -> memref<128x128xf32, #tpu.memory_space<vmem>>
    tpu.wait_dma2 semaphore(%arg9 : memref<!tpu.dma_semaphore, #tpu.memory_space<semaphore_mem>>) src(%dma_wait3A_248 : memref<128x128xf32, #tpu.memory_space<vmem>>) dst(%dma_wait3A_245 : memref<128x128xf32, #tpu.memory_space<hbm>>)
    return
  }
}

module attributes {stable_mosaic.version = 14 : i64} {
  func.func @_tc_body(%arg0: i32, %arg1: memref<512x1024xf32, #tpu.memory_space<vmem>>, %arg2: memref<1024x64xf32, #tpu.memory_space<vmem>>, %arg3: memref<2x32x8192xbf16, #tpu.memory_space<vmem>>, %arg4: memref<512x1xf32, #tpu.memory_space<vmem>>, %arg5: memref<1x512xf32, #tpu.memory_space<vmem>>, %arg6: memref<512x2xi32, #tpu.memory_space<vmem>>, %arg7: memref<512x2xi32, #tpu.memory_space<vmem>>, %arg8: memref<2x8192xf32, #tpu.memory_space<vmem>>) attributes {dimension_semantics = [#tpu.dimension_semantics<arbitrary>], iteration_bounds = array<i64: 16>, scalar_prefetch = 0 : i64, scratch_operands = 0 : i64, tpu.core_type = #tpu.core_type<tc>, window_params = [{transform_indices = @transform_0, window_bounds = array<i64: 512, 1024>}, {pipeline_mode = #tpu.pipeline_mode<synchronous>, transform_indices = @transform_1, window_bounds = array<i64: 1024, 64>}, {pipeline_mode = #tpu.pipeline_mode<synchronous>, transform_indices = @transform_2, window_bounds = array<i64: 2, 32, 8192>}, {transform_indices = @transform_3, window_bounds = array<i64: 512, 1>}, {transform_indices = @transform_4, window_bounds = array<i64: 1, 512>}, {transform_indices = @transform_5, window_bounds = array<i64: 512, 2>}, {transform_indices = @transform_6, window_bounds = array<i64: 512, 2>}, {pipeline_mode = #tpu.pipeline_mode<synchronous>, transform_indices = @transform_7, window_bounds = array<i64: 2, 8192>}]} {
    %eq3A = arith.constant 0 : i32
    %eq3A_0 = arith.cmpi eq, %arg0, %eq3A : i32
    %convert_element_type3A = arith.extui %eq3A_0 : i1 to i32
    %cond3A = arith.constant 0 : i32
    %cond3A_1 = arith.cmpi ne, %convert_element_type3A, %cond3A : i32
    scf.if %cond3A_1 {
      %broadcast_in_dim3A_114 = arith.constant 0.000000e+00 : f32
      %broadcast_in_dim3A_115 = vector.broadcast %broadcast_in_dim3A_114 : f32 to vector<2x8192xf32>
      %swap3A_116 = arith.constant 0 : index
      %swap3A_117 = arith.constant 0 : index
      %swap3A_118 = vector.load %arg8[%swap3A_116, %swap3A_117] : memref<2x8192xf32, #tpu.memory_space<vmem>>, vector<2x8192xf32>
      tpu.vector_store %arg8[%swap3A_116, %swap3A_117], %broadcast_in_dim3A_115 {strides = array<i32>} : memref<2x8192xf32, #tpu.memory_space<vmem>>, vector<2x8192xf32>,
    } else {
    }
    %get3A = arith.constant 0 : index
    %get3A_2 = arith.constant 0 : index
    %get3A_3 = vector.load %arg1[%get3A, %get3A_2] : memref<512x1024xf32, #tpu.memory_space<vmem>>, vector<512x1024xf32>
    %convert_element_type3A_4 = arith.truncf %get3A_3 : vector<512x1024xf32> to vector<512x1024xbf16>
    %get3A_5 = arith.constant 0 : index
    %get3A_6 = arith.constant 0 : index
    %get3A_7 = vector.load %arg2[%get3A_5, %get3A_6] : memref<1024x64xf32, #tpu.memory_space<vmem>>, vector<1024x64xf32>
    %convert_element_type3A_8 = arith.truncf %get3A_7 : vector<1024x64xf32> to vector<1024x64xbf16>
    %dot_general3A = arith.constant dense<0.000000e+00> : vector<512x64xf32>
    %dot_general3A_9 = tpu.matmul %convert_element_type3A_4, %convert_element_type3A_8, %dot_general3A {dimension_numbers = #tpu.dot_dimension_numbers<[1], [0], [0], [1], [0, 0, 1, 1], [], []>, transpose_lhs_hint = false} : vector<512x1024xbf16>, vector<1024x64xbf16>, vector<512x64xf32> -> vector<512x64xf32>
    %get3A_10 = arith.constant 0 : index
    %get3A_11 = arith.constant 0 : index
    %get3A_12 = vector.load %arg4[%get3A_10, %get3A_11] : memref<512x1xf32, #tpu.memory_space<vmem>>, vector<512x1xf32>
    %gt3A = arith.constant 0.000000e+00 : f32
    %gt3A_13 = vector.broadcast %gt3A : f32 to vector<512x1xf32>
    %gt3A_14 = arith.cmpf ogt, %get3A_12, %gt3A_13 : vector<512x1xf32>
    %get3A_15 = arith.constant 0 : index
    %get3A_16 = arith.constant 0 : index
    %get3A_17 = vector.load %arg5[%get3A_15, %get3A_16] : memref<1x512xf32, #tpu.memory_space<vmem>>, vector<1x512xf32>
    %sub3A = arith.constant 1.000000e+00 : f32
    %sub3A_18 = vector.broadcast %sub3A : f32 to vector<1x512xf32>
    %sub3A_19 = arith.subf %sub3A_18, %get3A_17 : vector<1x512xf32>
    %convert_element_type3A_20 = arith.truncf %sub3A_19 : vector<1x512xf32> to vector<1x512xbf16>
    %get3A_21 = arith.constant 0 : index
    %get3A_22 = arith.constant 0 : index
    %get3A_23 = arith.constant 0 : index
    %get3A_24 = vector.load %arg3[%get3A_21, %get3A_22, %get3A_23] : memref<2x32x8192xbf16, #tpu.memory_space<vmem>>, vector<1x32x8192xbf16>
    %get3A_25 = vector.shape_cast %get3A_24 : vector<1x32x8192xbf16> to vector<32x8192xbf16>
    %slice3A = vector.extract_strided_slice %dot_general3A_9 {offsets = [0, 0], sizes = [512, 32], strides = [1, 1]} : vector<512x64xf32> to vector<512x32xf32>
    %mul3A = arith.mulf %slice3A, %slice3A : vector<512x32xf32>
    %reduce_sum3A = arith.constant dense<0.000000e+00> : vector<512xf32>
    %reduce_sum3A_26 = vector.multi_reduction <add>, %mul3A, %reduce_sum3A [1] : vector<512x32xf32> to vector<512xf32>
    %broadcast_in_dim3A = vector.shape_cast %reduce_sum3A_26 : vector<512xf32> to vector<512x1xf32>
    %sqrt3A = math.sqrt %broadcast_in_dim3A : vector<512x1xf32>
    %max3A = arith.constant 9.99999996E-13 : f32
    %max3A_27 = vector.broadcast %max3A : f32 to vector<512x1xf32>
    %max3A_28 = arith.maximumf %sqrt3A, %max3A_27 : vector<512x1xf32>
    %div3A = vector.broadcast %max3A_28 : vector<512x1xf32> to vector<512x32xf32>
    %div3A_29 = arith.divf %slice3A, %div3A : vector<512x32xf32>
    %convert_element_type3A_30 = arith.truncf %div3A_29 : vector<512x32xf32> to vector<512x32xbf16>
    %dot_general3A_31 = arith.constant dense<0.000000e+00> : vector<512x8192xf32>
    %dot_general3A_32 = tpu.matmul %convert_element_type3A_30, %get3A_25, %dot_general3A_31 {dimension_numbers = #tpu.dot_dimension_numbers<[1], [0], [0], [1], [0, 0, 1, 1], [], []>, transpose_lhs_hint = false} : vector<512x32xbf16>, vector<32x8192xbf16>, vector<512x8192xf32> -> vector<512x8192xf32>
    %reduce_max3A = arith.constant dense<0xFF800000> : vector<512xf32>
    %reduce_max3A_33 = vector.multi_reduction <maximumf>, %dot_general3A_32, %reduce_max3A [1] : vector<512x8192xf32> to vector<512xf32>
    %broadcast_in_dim3A_34 = vector.shape_cast %reduce_max3A_33 : vector<512xf32> to vector<512x1xf32>
    %eq3A_35 = vector.broadcast %broadcast_in_dim3A_34 : vector<512x1xf32> to vector<512x8192xf32>
    %eq3A_36 = arith.cmpf oeq, %dot_general3A_32, %eq3A_35 : vector<512x8192xf32>
    %argmax3A = tpu.reduce_index %dot_general3A_32 {axis = 1 : i32, kind = #tpu.reduction_kind<arg_max>} : vector<512x8192xf32> -> vector<512xi32>
    %reshape3A = vector.shape_cast %argmax3A : vector<512xi32> to vector<512x1xi32>
    %jit3A = arith.constant 1.000000e+00 : f32
    %jit3A_37 = arith.constant 0.000000e+00 : f32
    %broadcast_in_dim3A_38 = vector.broadcast %jit3A : f32 to vector<512x8192xf32>
    %broadcast_in_dim3A_39 = vector.broadcast %jit3A_37 : f32 to vector<512x8192xf32>
    %select_n3A = arith.select %eq3A_36, %broadcast_in_dim3A_38, %broadcast_in_dim3A_39 : vector<512x8192xi1>, vector<512x8192xf32>
    %convert_element_type3A_40 = arith.truncf %select_n3A : vector<512x8192xf32> to vector<512x8192xbf16>
    %dot_general3A_41 = arith.constant dense<0.000000e+00> : vector<1x8192xf32>
    %dot_general3A_42 = tpu.matmul %convert_element_type3A_20, %convert_element_type3A_40, %dot_general3A_41 {dimension_numbers = #tpu.dot_dimension_numbers<[1], [0], [0], [1], [0, 0, 1, 1], [], []>, transpose_lhs_hint = false} : vector<1x512xbf16>, vector<512x8192xbf16>, vector<1x8192xf32> -> vector<1x8192xf32>
    %get3A_43 = arith.constant 0 : index
    %get3A_44 = arith.constant 0 : index
    %get3A_45 = vector.load %arg8[%get3A_43, %get3A_44] : memref<2x8192xf32, #tpu.memory_space<vmem>>, vector<1x8192xf32>
    %add3A = arith.addf %get3A_45, %dot_general3A_42 : vector<1x8192xf32>
    %swap3A = arith.constant 0 : index
    %swap3A_46 = arith.constant 0 : index
    %swap3A_47 = vector.load %arg8[%swap3A, %swap3A_46] : memref<2x8192xf32, #tpu.memory_space<vmem>>, vector<1x8192xf32>
    tpu.vector_store %arg8[%swap3A, %swap3A_46], %add3A {strides = array<i32>} : memref<2x8192xf32, #tpu.memory_space<vmem>>, vector<1x8192xf32>,
    %jit3A_48 = arith.constant -1 : i32
    %broadcast_in_dim3A_49 = vector.broadcast %jit3A_48 : i32 to vector<512x1xi32>
    %select_n3A_50 = arith.select %gt3A_14, %broadcast_in_dim3A_49, %reshape3A : vector<512x1xi1>, vector<512x1xi32>
    %mul3A_51 = arith.constant 2 : i32
    %mul3A_52 = vector.broadcast %mul3A_51 : i32 to vector<512x1xi32>
    %mul3A_53 = arith.muli %reshape3A, %mul3A_52 : vector<512x1xi32>
    %add3A_54 = arith.constant 0 : i32
    %add3A_55 = vector.broadcast %add3A_54 : i32 to vector<512x1xi32>
    %add3A_56 = arith.addi %mul3A_53, %add3A_55 : vector<512x1xi32>
    %get3A_57 = arith.constant 1 : index
    %get3A_58 = arith.constant 0 : index
    %get3A_59 = arith.constant 0 : index
    %get3A_60 = vector.load %arg3[%get3A_57, %get3A_58, %get3A_59] : memref<2x32x8192xbf16, #tpu.memory_space<vmem>>, vector<1x32x8192xbf16>
    %get3A_61 = vector.shape_cast %get3A_60 : vector<1x32x8192xbf16> to vector<32x8192xbf16>
    %slice3A_62 = vector.extract_strided_slice %dot_general3A_9 {offsets = [0, 32], sizes = [512, 32], strides = [1, 1]} : vector<512x64xf32> to vector<512x32xf32>
    %mul3A_63 = arith.mulf %slice3A_62, %slice3A_62 : vector<512x32xf32>
    %reduce_sum3A_64 = arith.constant dense<0.000000e+00> : vector<512xf32>
    %reduce_sum3A_65 = vector.multi_reduction <add>, %mul3A_63, %reduce_sum3A_64 [1] : vector<512x32xf32> to vector<512xf32>
    %broadcast_in_dim3A_66 = vector.shape_cast %reduce_sum3A_65 : vector<512xf32> to vector<512x1xf32>
    %sqrt3A_67 = math.sqrt %broadcast_in_dim3A_66 : vector<512x1xf32>
    %max3A_68 = arith.constant 9.99999996E-13 : f32
    %max3A_69 = vector.broadcast %max3A_68 : f32 to vector<512x1xf32>
    %max3A_70 = arith.maximumf %sqrt3A_67, %max3A_69 : vector<512x1xf32>
    %div3A_71 = vector.broadcast %max3A_70 : vector<512x1xf32> to vector<512x32xf32>
    %div3A_72 = arith.divf %slice3A_62, %div3A_71 : vector<512x32xf32>
    %convert_element_type3A_73 = arith.truncf %div3A_72 : vector<512x32xf32> to vector<512x32xbf16>
    %dot_general3A_74 = arith.constant dense<0.000000e+00> : vector<512x8192xf32>
    %dot_general3A_75 = tpu.matmul %convert_element_type3A_73, %get3A_61, %dot_general3A_74 {dimension_numbers = #tpu.dot_dimension_numbers<[1], [0], [0], [1], [0, 0, 1, 1], [], []>, transpose_lhs_hint = false} : vector<512x32xbf16>, vector<32x8192xbf16>, vector<512x8192xf32> -> vector<512x8192xf32>
    %reduce_max3A_76 = arith.constant dense<0xFF800000> : vector<512xf32>
    %reduce_max3A_77 = vector.multi_reduction <maximumf>, %dot_general3A_75, %reduce_max3A_76 [1] : vector<512x8192xf32> to vector<512xf32>
    %broadcast_in_dim3A_78 = vector.shape_cast %reduce_max3A_77 : vector<512xf32> to vector<512x1xf32>
    %eq3A_79 = vector.broadcast %broadcast_in_dim3A_78 : vector<512x1xf32> to vector<512x8192xf32>
    %eq3A_80 = arith.cmpf oeq, %dot_general3A_75, %eq3A_79 : vector<512x8192xf32>
    %argmax3A_81 = tpu.reduce_index %dot_general3A_75 {axis = 1 : i32, kind = #tpu.reduction_kind<arg_max>} : vector<512x8192xf32> -> vector<512xi32>
    %reshape3A_82 = vector.shape_cast %argmax3A_81 : vector<512xi32> to vector<512x1xi32>
    %jit3A_83 = arith.constant 1.000000e+00 : f32
    %jit3A_84 = arith.constant 0.000000e+00 : f32
    %broadcast_in_dim3A_85 = vector.broadcast %jit3A_83 : f32 to vector<512x8192xf32>
    %broadcast_in_dim3A_86 = vector.broadcast %jit3A_84 : f32 to vector<512x8192xf32>
    %select_n3A_87 = arith.select %eq3A_80, %broadcast_in_dim3A_85, %broadcast_in_dim3A_86 : vector<512x8192xi1>, vector<512x8192xf32>
    %convert_element_type3A_88 = arith.truncf %select_n3A_87 : vector<512x8192xf32> to vector<512x8192xbf16>
    %dot_general3A_89 = arith.constant dense<0.000000e+00> : vector<1x8192xf32>
    %dot_general3A_90 = tpu.matmul %convert_element_type3A_20, %convert_element_type3A_88, %dot_general3A_89 {dimension_numbers = #tpu.dot_dimension_numbers<[1], [0], [0], [1], [0, 0, 1, 1], [], []>, transpose_lhs_hint = false} : vector<1x512xbf16>, vector<512x8192xbf16>, vector<1x8192xf32> -> vector<1x8192xf32>
    %get3A_91 = arith.constant 1 : index
    %get3A_92 = arith.constant 0 : index
    %get3A_93 = vector.load %arg8[%get3A_91, %get3A_92] : memref<2x8192xf32, #tpu.memory_space<vmem>>, vector<1x8192xf32>
    %add3A_94 = arith.addf %get3A_93, %dot_general3A_90 : vector<1x8192xf32>
    %swap3A_95 = arith.constant 1 : index
    %swap3A_96 = arith.constant 0 : index
    %swap3A_97 = vector.load %arg8[%swap3A_95, %swap3A_96] : memref<2x8192xf32, #tpu.memory_space<vmem>>, vector<1x8192xf32>
    tpu.vector_store %arg8[%swap3A_95, %swap3A_96], %add3A_94 {strides = array<i32>} : memref<2x8192xf32, #tpu.memory_space<vmem>>, vector<1x8192xf32>,
    %jit3A_98 = arith.constant -1 : i32
    %broadcast_in_dim3A_99 = vector.broadcast %jit3A_98 : i32 to vector<512x1xi32>
    %select_n3A_100 = arith.select %gt3A_14, %broadcast_in_dim3A_99, %reshape3A_82 : vector<512x1xi1>, vector<512x1xi32>
    %mul3A_101 = arith.constant 2 : i32
    %mul3A_102 = vector.broadcast %mul3A_101 : i32 to vector<512x1xi32>
    %mul3A_103 = arith.muli %reshape3A_82, %mul3A_102 : vector<512x1xi32>
    %add3A_104 = arith.constant 1 : i32
    %add3A_105 = vector.broadcast %add3A_104 : i32 to vector<512x1xi32>
    %add3A_106 = arith.addi %mul3A_103, %add3A_105 : vector<512x1xi32>
    %concatenate3A = tpu.concatenate %select_n3A_50, %select_n3A_100 in 1 : vector<512x1xi32>, vector<512x1xi32> -> vector<512x2xi32>
    %swap3A_107 = arith.constant 0 : index
    %swap3A_108 = arith.constant 0 : index
    %swap3A_109 = vector.load %arg6[%swap3A_107, %swap3A_108] : memref<512x2xi32, #tpu.memory_space<vmem>>, vector<512x2xi32>
    tpu.vector_store %arg6[%swap3A_107, %swap3A_108], %concatenate3A {strides = array<i32>} : memref<512x2xi32, #tpu.memory_space<vmem>>, vector<512x2xi32>,
    %concatenate3A_110 = tpu.concatenate %add3A_56, %add3A_106 in 1 : vector<512x1xi32>, vector<512x1xi32> -> vector<512x2xi32>
    %swap3A_111 = arith.constant 0 : index
    %swap3A_112 = arith.constant 0 : index
    %swap3A_113 = vector.load %arg7[%swap3A_111, %swap3A_112] : memref<512x2xi32, #tpu.memory_space<vmem>>, vector<512x2xi32>
    tpu.vector_store %arg7[%swap3A_111, %swap3A_112], %concatenate3A_110 {strides = array<i32>} : memref<512x2xi32, #tpu.memory_space<vmem>>, vector<512x2xi32>,
    return
  }
  func.func @transform_0(%arg0: i32) -> (i32, i32) {
    %c0_i32 = arith.constant 0 : i32
    %c0_i32_0 = arith.constant 0 : i32
    return %arg0, %c0_i32 : i32, i32
  }
  func.func @transform_1(%arg0: i32) -> (i32, i32) {
    %c0_i32 = arith.constant 0 : i32
    %c0_i32_0 = arith.constant 0 : i32
    %c0_i32_1 = arith.constant 0 : i32
    return %c0_i32, %c0_i32_0 : i32, i32
  }
  func.func @transform_2(%arg0: i32) -> (i32, i32, i32) {
    %c0_i32 = arith.constant 0 : i32
    %c0_i32_0 = arith.constant 0 : i32
    %c0_i32_1 = arith.constant 0 : i32
    %c0_i32_2 = arith.constant 0 : i32
    return %c0_i32, %c0_i32_0, %c0_i32_1 : i32, i32, i32
  }
  func.func @transform_3(%arg0: i32) -> (i32, i32) {
    %c0_i32 = arith.constant 0 : i32
    %c0_i32_0 = arith.constant 0 : i32
    return %arg0, %c0_i32 : i32, i32
  }
  func.func @transform_4(%arg0: i32) -> (i32, i32) {
    %c0_i32 = arith.constant 0 : i32
    %c0_i32_0 = arith.constant 0 : i32
    return %c0_i32, %arg0 : i32, i32
  }
  func.func @transform_5(%arg0: i32) -> (i32, i32) {
    %c0_i32 = arith.constant 0 : i32
    %c0_i32_0 = arith.constant 0 : i32
    return %arg0, %c0_i32 : i32, i32
  }
  func.func @transform_6(%arg0: i32) -> (i32, i32) {
    %c0_i32 = arith.constant 0 : i32
    %c0_i32_0 = arith.constant 0 : i32
    return %arg0, %c0_i32 : i32, i32
  }
  func.func @transform_7(%arg0: i32) -> (i32, i32) {
    %c0_i32 = arith.constant 0 : i32
    %c0_i32_0 = arith.constant 0 : i32
    %c0_i32_1 = arith.constant 0 : i32
    return %c0_i32, %c0_i32_0 : i32, i32
  }
}

module attributes {stable_mosaic.version = 14 : i64} {
  func.func @_sum_body(%arg0: memref<2x8192xf32, #tpu.memory_space<vmem>>, %arg1: memref<1x1xf32, #tpu.memory_space<vmem>>, %arg2: memref<1x1xf32, #tpu.memory_space<vmem>>) attributes {dimension_semantics = [], scalar_prefetch = 0 : i64, scratch_operands = 0 : i64, tpu.core_type = #tpu.core_type<tc>} {
    %get3A = arith.constant 0 : index
    %get3A_0 = arith.constant 0 : index
    %get3A_1 = vector.load %arg0[%get3A, %get3A_0] : memref<2x8192xf32, #tpu.memory_space<vmem>>, vector<2x8192xf32>
    %slice3A = vector.extract_strided_slice %get3A_1 {offsets = [0, 0], sizes = [1, 8192], strides = [1, 1]} : vector<2x8192xf32> to vector<1x8192xf32>
    %reduce_sum3A = vector.shape_cast %slice3A : vector<1x8192xf32> to vector<1x1x8192xf32>
    %reduce_sum3A_2 = arith.constant dense<0.000000e+00> : vector<1xf32>
    %reduce_sum3A_3 = vector.multi_reduction <add>, %reduce_sum3A, %reduce_sum3A_2 [1, 2] : vector<1x1x8192xf32> to vector<1xf32>
    %reduce_sum3A_4 = vector.shape_cast %reduce_sum3A_3 : vector<1xf32> to vector<1x1x1xf32>
    %reduce_sum3A_5 = vector.extract %reduce_sum3A_4[0, 0, 0] : f32 from vector<1x1x1xf32>
    %broadcast_in_dim3A = vector.broadcast %reduce_sum3A_5 : f32 to vector<1x1xf32>
    %max3A = arith.constant 1.000000e+00 : f32
    %max3A_6 = vector.broadcast %max3A : f32 to vector<1x1xf32>
    %max3A_7 = arith.maximumf %broadcast_in_dim3A, %max3A_6 : vector<1x1xf32>
    %div3A = vector.broadcast %max3A_7 : vector<1x1xf32> to vector<2x8192xf32>
    %div3A_8 = arith.divf %get3A_1, %div3A : vector<2x8192xf32>
    %max3A_9 = arith.constant 1.000000e-30 : f32
    %max3A_10 = vector.broadcast %max3A_9 : f32 to vector<2x8192xf32>
    %max3A_11 = arith.maximumf %div3A_8, %max3A_10 : vector<2x8192xf32>
    %log3A = math.log %max3A_11 : vector<2x8192xf32>
    %mul3A = arith.mulf %div3A_8, %log3A : vector<2x8192xf32>
    %reduce_sum3A_12 = arith.constant dense<0.000000e+00> : vector<2xf32>
    %reduce_sum3A_13 = vector.multi_reduction <add>, %mul3A, %reduce_sum3A_12 [1] : vector<2x8192xf32> to vector<2xf32>
    %broadcast_in_dim3A_14 = vector.shape_cast %reduce_sum3A_13 : vector<2xf32> to vector<2x1xf32>
    %neg3A = arith.constant 0.000000e+00 : f32
    %neg3A_15 = vector.broadcast %neg3A : f32 to vector<2x1xf32>
    %neg3A_16 = arith.subf %neg3A_15, %broadcast_in_dim3A_14 : vector<2x1xf32>
    %exp3A = math.exp %neg3A_16 : vector<2x1xf32>
    %reduce_sum3A_17 = vector.shape_cast %exp3A : vector<2x1xf32> to vector<1x2x1xf32>
    %reduce_sum3A_18 = arith.constant dense<0.000000e+00> : vector<1xf32>
    %reduce_sum3A_19 = vector.multi_reduction <add>, %reduce_sum3A_17, %reduce_sum3A_18 [1, 2] : vector<1x2x1xf32> to vector<1xf32>
    %reduce_sum3A_20 = vector.shape_cast %reduce_sum3A_19 : vector<1xf32> to vector<1x1x1xf32>
    %reduce_sum3A_21 = vector.extract %reduce_sum3A_20[0, 0, 0] : f32 from vector<1x1x1xf32>
    %broadcast_in_dim3A_22 = vector.broadcast %reduce_sum3A_21 : f32 to vector<1x1xf32>
    %div3A_23 = arith.constant 2.000000e+00 : f32
    %div3A_24 = vector.broadcast %div3A_23 : f32 to vector<1x1xf32>
    %div3A_25 = arith.divf %broadcast_in_dim3A_22, %div3A_24 : vector<1x1xf32>
    %swap3A = arith.constant 0 : index
    %swap3A_26 = arith.constant 0 : index
    %swap3A_27 = vector.load %arg1[%swap3A, %swap3A_26] : memref<1x1xf32, #tpu.memory_space<vmem>>, vector<1x1xf32>
    tpu.vector_store %arg1[%swap3A, %swap3A_26], %div3A_25 {strides = array<i32>} : memref<1x1xf32, #tpu.memory_space<vmem>>, vector<1x1xf32>,
    %gt3A = arith.constant 0.000000e+00 : f32
    %gt3A_28 = vector.broadcast %gt3A : f32 to vector<2x8192xf32>
    %gt3A_29 = arith.cmpf ogt, %div3A_8, %gt3A_28 : vector<2x8192xf32>
    %convert_element_type3A = arith.extui %gt3A_29 : vector<2x8192xi1> to vector<2x8192xi32>
    %convert_element_type3A_30 = arith.sitofp %convert_element_type3A : vector<2x8192xi32> to vector<2x8192xf32>
    %reduce_sum3A_31 = arith.constant dense<0.000000e+00> : vector<2xf32>
    %reduce_sum3A_32 = vector.multi_reduction <add>, %convert_element_type3A_30, %reduce_sum3A_31 [1] : vector<2x8192xf32> to vector<2xf32>
    %broadcast_in_dim3A_33 = vector.shape_cast %reduce_sum3A_32 : vector<2xf32> to vector<2x1xf32>
    %div3A_34 = arith.constant 8.192000e+03 : f32
    %div3A_35 = vector.broadcast %div3A_34 : f32 to vector<2x1xf32>
    %div3A_36 = arith.divf %broadcast_in_dim3A_33, %div3A_35 : vector<2x1xf32>
    %reduce_sum3A_37 = vector.shape_cast %div3A_36 : vector<2x1xf32> to vector<1x2x1xf32>
    %reduce_sum3A_38 = arith.constant dense<0.000000e+00> : vector<1xf32>
    %reduce_sum3A_39 = vector.multi_reduction <add>, %reduce_sum3A_37, %reduce_sum3A_38 [1, 2] : vector<1x2x1xf32> to vector<1xf32>
    %reduce_sum3A_40 = vector.shape_cast %reduce_sum3A_39 : vector<1xf32> to vector<1x1x1xf32>
    %reduce_sum3A_41 = vector.extract %reduce_sum3A_40[0, 0, 0] : f32 from vector<1x1x1xf32>
    %broadcast_in_dim3A_42 = vector.broadcast %reduce_sum3A_41 : f32 to vector<1x1xf32>
    %div3A_43 = arith.constant 2.000000e+00 : f32
    %div3A_44 = vector.broadcast %div3A_43 : f32 to vector<1x1xf32>
    %div3A_45 = arith.divf %broadcast_in_dim3A_42, %div3A_44 : vector<1x1xf32>
    %swap3A_46 = arith.constant 0 : index
    %swap3A_47 = arith.constant 0 : index
    %swap3A_48 = vector.load %arg2[%swap3A_46, %swap3A_47] : memref<1x1xf32, #tpu.memory_space<vmem>>, vector<1x1xf32>
    tpu.vector_store %arg2[%swap3A_46, %swap3A_47], %div3A_45 {strides = array<i32>} : memref<1x1xf32, #tpu.memory_space<vmem>>, vector<1x1xf32>,
    return
  }
}

</mosaic_0001>

<sc_bundles>
// kernel: kernel.5.cloned.1.call-start
scs
__scs_entry_jumppad:
0x0: {  	(pc) =	sbr.rel $0x88, $3  }
0x1: {  	(tag) =	ssettag $0x0;
	lr =	simm.s32 $0x1  }
0x2: {  	[smem:$0x3F9D] =	sst lr;
	_ =	strace $0xD0000000  }
0x3: {  	_ = 	snop  }
0x4: {  	_ = 	snop  }
0x5: {  	_ = 	snop  }
0x6: {  	_ = 	snop  }
0x7: {  	_ = 	snop  }
__scs_overlays_trampoline_lowered:
0x8: {  	[smem:$0x3FAC] =	sst s0  }
0x9: {  	[smem:$0x3FAD] =	sst s1  }
0xa: {  	[smem:$0x3FAE] =	sst s2  }
0xb: {  	[smem:$0x3FAF] =	sst s3  }
0xc: {  	[smem:$0x3FB0] =	sst s4  }
0xd: {  	[smem:$0x3FB1] =	sst s5  }
0xe: {  	[smem:$0x3FB2] =	sst s6  }
0xf: {  	[smem:$0x3FB3] =	sst s7  }
0x10: {  	[smem:$0x3FB4] =	sst s8  }
0x11: {  	[smem:$0x3FB5] =	sst s9;
	s0 =	simm.s32 @!p0 $0x0  }
0x12: {  	s1 =	sld [smem:$0x3F9B];
	s0 =	simm.s32 @p0 $0x1  }
0x13: {  	[smem:$0x3FB6] =	sst s0;
	s0 =	simm.s32 @!p1 $0x0  }
0x14: {  	s2 =	sld [smem:$0x3F9A];
	s0 =	simm.s32 @p1 $0x1  }
0x15: {  	[smem:$0x3FB7] =	sst s0;
	s0 =	simm.s32 @!p2 $0x0  }
0x16: {  	s3 =	sld [smem:$0x3FDB];
	s0 =	simm.s32 @p2 $0x1  }
0x17: {  	s4 =	simm.s32 $0x1BF5;
	[smem:$0x3FB9] =	sst s0  }
0x18: {  	s0 =	sld [smem:$0x3F9C];
	_ =	swait.ge [sflag:s4], $0x0  }
0x19: {  	s7 =	sld [smem:$0x3F9D]  }
0x1a: {  	s8 =	sadd.s32 $0xFFFFE003, lr  }
0x1b: {  	s9 =	sadd.s32 $0xFFFFFEF7, lr;
	s5 =	simm.s32 $0xFFFFFFFF;
	p2 =	slt.u32 s8, $0xFFFFF086  }
0x1c: {  	p1 =	slt.u32 s9, $0xF7A;
	s5 =	simm.s32 @!p2 $0x0  }
0x1d: {  	s5 =	simm.s32 @p1 $0x1;
	p0 =	seq.s32 s7, s2  }
0x1e: {  	s7 =	smul.u32 @!p0 $0xF7A, s2;
	p2 =	seq.s32 @!p0 s5, $0x0  }
0x1f: {  	s9 =	smul.u32 $0xF7A, s1;
	s8 =	simm.s32 @!p0 $0x1BF5;
	p2 =	por !p2, p0  }
0x20: {  	[sflag:s8] =	ssyncset.s32 @!p0 $0xFFFFF086;
	s6 =	sadd.s32 @!p0 s3, s7;
	s7 =	simm.s32 @!p0 $0x108  }
0x21: {  	s3 =	sadd.s32 s3, s9;
	s6 =	sadd.s32 @!p0 $0x88, s6;
	s7 =	simm.s32 @p2 $0x1082  }
0x22: {  	[simem:s7], [sflag:s8] =	dma.local @!p0 [hbm:s6], $0xF7A  }
0x23: {  	s9 =	sor.u32 $0xD0000000, s2;
	s6 =	simm.s32 $0x108;
	_ =	swait.ge @!p0 [sflag:s8], $0x0  }
0x24: {  	s3 =	sadd.s32 $0x88, s3;
	s6 =	simm.s32 @!p1 $0x1082;
	[sflag:s4] =	ssyncset.s32 $0xFFFFF086  }
0x25: {  	[simem:s6], [sflag:s4] =	dma.local [hbm:s3], $0xF7A  }
0x26: {  	[smem:$0x3F9D] =	sst s1;
	(tag) =	ssettag s2;
	_ =	strace s9  }
0x27: {  	s1 =	sld [smem:$0x3FAD]  }
0x28: {  	s2 =	sld [smem:$0x3FAE]  }
0x29: {  	s4 =	sld [smem:$0x3FB0]  }
0x2a: {  	p0 =	seq.s32 s5, $0x0;
	s5 =	sld [smem:$0x3FB1]  }
0x2b: {  	s6 =	sld [smem:$0x3FB2]  }
0x2c: {  	s7 =	sld [smem:$0x3FB3]  }
0x2d: {  	s3 =	simm.s32 $0x108;
	s8 =	sld [smem:$0x3FB4]  }
0x2e: {  	s3 =	simm.s32 @!p0 $0x1082;
	s9 =	sld [smem:$0x3FB5]  }
0x2f: {  	lr =	sadd.s32 s0, s3;
	s0 =	sld [smem:$0x3FAC]  }
0x30: {  	s3 =	sld [smem:$0x3FAF]  }
0x31: {  	[smem:$0x3FB8] =	sst s10  }
0x32: {  	s10 =	sld [smem:$0x3FB6];
	_ =	sdelay $0x3  }
0x33: {  	p0 =	seq.s32 s10, $0x1;
	s10 =	sld [smem:$0x3FB8];
	_ =	sdelay $0x3  }
0x34: {  	[smem:$0x3FB8] =	sst s10  }
0x35: {  	s10 =	sld [smem:$0x3FB7];
	_ =	sdelay $0x3  }
0x36: {  	p1 =	seq.s32 s10, $0x1;
	s10 =	sld [smem:$0x3FB8];
	_ =	sdelay $0x3  }
0x37: {  	[smem:$0x3FB8] =	sst s10  }
0x38: {  	s10 =	sld [smem:$0x3FB9]  }
0x39: {  	_ = 	snop;
	(pc) =	sbr.ind lr, $3  }
0x3a: {  	_ = 	snop  }
0x3b: {  	_ = 	snop  }
0x3c: {  	p2 =	seq.s32 s10, $0x1;
	s10 =	sld [smem:$0x3FB8]  }
0x3d: {  	_ =	shalt  }
0x3e: {  	_ =	shalt  }
0x3f: {  	_ =	shalt  }
0x40: {  	_ =	shalt  }
0x41: {  	_ =	shalt  }
0x42: {  	_ =	shalt  }
0x43: {  	_ =	shalt  }
0x44: {  	_ =	shalt  }
0x45: {  	_ =	shalt  }
0x46: {  	_ =	shalt  }
0x47: {  	_ =	shalt  }
0x48: {  	_ =	shalt  }
0x49: {  	_ =	shalt  }
0x4a: {  	_ =	shalt  }
0x4b: {  	_ =	shalt  }
0x4c: {  	_ =	shalt  }
0x4d: {  	_ =	shalt  }
0x4e: {  	_ =	shalt  }
0x4f: {  	_ =	shalt  }
0x50: {  	_ =	shalt  }
0x51: {  	_ =	shalt  }
0x52: {  	_ =	shalt  }
0x53: {  	_ =	shalt  }
0x54: {  	_ =	shalt  }
0x55: {  	_ =	shalt  }
0x56: {  	_ =	shalt  }
0x57: {  	_ =	shalt  }
0x58: {  	_ =	shalt  }
0x59: {  	_ =	shalt  }
0x5a: {  	_ =	shalt  }
0x5b: {  	_ =	shalt  }
0x5c: {  	_ =	shalt  }
0x5d: {  	_ =	shalt  }
0x5e: {  	_ =	shalt  }
0x5f: {  	_ =	shalt  }
0x60: {  	_ =	shalt  }
0x61: {  	_ =	shalt  }
0x62: {  	_ =	shalt  }
0x63: {  	_ =	shalt  }
0x64: {  	_ =	shalt  }
0x65: {  	_ =	shalt  }
0x66: {  	_ =	shalt  }
0x67: {  	_ =	shalt  }
0x68: {  	_ =	shalt  }
0x69: {  	_ =	shalt  }
0x6a: {  	_ =	shalt  }
0x6b: {  	_ =	shalt  }
0x6c: {  	_ =	shalt  }
0x6d: {  	_ =	shalt  }
0x6e: {  	_ =	shalt  }
0x6f: {  	_ =	shalt  }
0x70: {  	_ =	shalt  }
0x71: {  	_ =	shalt  }
0x72: {  	_ =	shalt  }
0x73: {  	_ =	shalt  }
0x74: {  	_ =	shalt  }
0x75: {  	_ =	shalt  }
0x76: {  	_ =	shalt  }
0x77: {  	_ =	shalt  }
0x78: {  	_ =	shalt  }
0x79: {  	_ =	shalt  }
0x7a: {  	_ =	shalt  }
0x7b: {  	_ =	shalt  }
0x7c: {  	_ =	shalt  }
0x7d: {  	_ =	shalt  }
0x7e: {  	_ =	shalt  }
0x7f: {  	_ =	shalt  }
0x80: {  	_ =	shalt  }
0x81: {  	_ =	shalt  }
0x82: {  	_ =	shalt  }
0x83: {  	_ =	shalt  }
0x84: {  	_ =	shalt  }
0x85: {  	_ =	shalt  }
0x86: {  	_ =	shalt  }
0x87: {  	_ =	shalt  }
.Lfunc_end0:
.L_simem_size_0:
called_computation_lowered:
.L_overlay_start_0:
0x88: {  	s2 =	sld [smem:$0x3FD9]  }
0x89: {  	s3 =	sld [smem:$0x3FFE];
	_ =	sdelay $0x1  }
0x8a: {  	s1 =	srdreg.scid  }
0x8b: {  	s0 =	sand.u32 $0x1, s1  }
0x8c: {  	s14 =	sshll.u32 s0, $0xA;
	s2 =	sadd.s32 s3, s2  }
0x8d: {  	s2 =	sadd.s32 s2, s14  }
0x8e: {  	[smem:$0x3FC4] =	sst s2  }
0x8f: {  	_ = 	snop  }
0x90: {  	s2 =	sld [smem:$0x3FD0];
	_ =	sdelay $0x2  }
0x91: {  	s15 =	simm.s32 $0xA;
	s4 =	simm.s32 $0x10  }
0x92: {  	[smem:s4], [sflag:s15] =	dma.local [hbm:s2], $0x1  }
0x93: {  	_ =	swait.eq [sflag:s15], $0x1  }
0x94: {  	[sflag:s15] =	ssyncset.done $0x0  }
0x95: {  	[sflag:s15] =	ssyncadd.s32 $0xFFFFFFFF  }
0x96: {  	s16 =	sld [smem:$0x11];
	(tm) =	ssettm $0x1  }
0x97: {  	s17 =	sld [smem:$0x3FFB];
	_ =	sdelay $0x3  }
0x98: {  	_ =	strace s17  }
0x99: {  	s3 =	sld [smem:$0x3FFC];
	_ =	sdelay $0x3  }
0x9a: {  	_ =	strace s3  }
0x9b: {  	s3 =	sld [smem:$0x3FFD];
	_ =	sdelay $0x3  }
0x9c: {  	_ =	strace s3  }
0x9d: {  	_ =	strace $0x8FFFFFFF  }
0x9e: {  	s18 =	sld [smem:$0x3FDB];
	_ =	sdelay $0x1  }
0x9f: {  	s19 =	simm.s32 $_scs_section_size  }
0xa0: {  	s5 =	simm.s32 $_size__tile_overlayer_lowered;
	s6 =	simm.s32 $_tile_overlayer_lowered  }
0xa1: {  	s22 =	simm.s32 $0x1BFF;
	s21 =	sshll.u32 s6, $0x1;
	s3 =	sadd.s32 s19, s18  }
0xa2: {  	s7 =	simm.s32 $0x0;
	s20 =	sshll.u32 s5, $0x1;
	s5 =	sadd.s32 s21, s3  }
0xa3: {  	[timem:s7], [sflag:s22] =	dma.local [hbm:s5], s20  }
0xa4: {  	_ =	swait.ge [sflag:s22], s20  }
0xa5: {  	s4 =	ssub.s32 $0x0, s20;
	[sflag:s22] =	ssyncset.done $0x0  }
0xa6: {  	[sflag:s22] =	ssyncadd.s32 s4;
	_ =	sdelay $0x1  }
0xa7: {  	s23 =	simm.s32 $0x1B8B  }
0xa8: {  	_ =	swait.ge [sflag:s23], $0x1  }
0xa9: {  	[sflag:s23] =	ssyncset.done $0x0  }
0xaa: {  	s25 =	simm.s32 $0x1B8E;
	s24 =	sld [smem:$0x3FFE];
	[sflag:s23] =	ssyncadd.s32 $0xFFFFFFFF  }
0xab: {  	s26 =	simm.s32 $execute0_lowered;
	[smem:$0x3FD2] =	sst s25  }
0xac: {  	s5 =	sshll.u32 s26, $0x1;
	_ =	strace $0x80000046;
	[dreg:$0x1] =	wrdreg $0xFFFFFFFF  }
0xad: {  	s28 =	simm.s32 $_size_execute0_lowered;
	s3 =	sadd.s32 s3, s5;
	[dreg:$0x0] =	wrdreg $0x0  }
0xae: {  	s5 =	sshll.u32 s28, $0x1;
	[dreg:$0x2] =	wrdreg s3  }
0xaf: {  	[dreg:$0x3] =	wrdreg s5  }
0xb0: {  	[dreg:$0x4] =	wrdreg $0xC0  }
0xb1: {  	_ =	task [dreg:s7], $0x5FFFF  }
0xb2: {  	[dreg:$0x1] =	wrdreg $0xFFFFFFFF  }
0xb3: {  	[dreg:$0x0] =	wrdreg $0x60  }
0xb4: {  	[dreg:$0x2] =	wrdreg s24  }
0xb5: {  	[dreg:$0x3] =	wrdreg s16  }
0xb6: {  	[dreg:$0x4] =	wrdreg $0x9  }
0xb7: {  	_ =	task.clear_ibuf [dreg:s7], $0x5FFFF;
	_ =	strace $0x90000046  }
0xb8: {  	s29 =	simm.s32 $0x9;
	_ =	strace $0x80000048  }
0xb9: {  	_ =	swait.ge [sflag:s29], $0x1  }
0xba: {  	[sflag:s29] =	ssyncadd.s32 $0xFFFFFFFF  }
0xbb: {  	_ =	strace $0x90000048  }
0xbc: {  	_ =	sfence  }
0xbd: {  	s30 =	sld [smem:$0x0];
	_ =	sdelay $0x2  }
0xbe: {  	s31 =	sshll.u32 s1, $0xD;
	s1 =	sshrl.u32 s1, $0x2  }
0xbf: {  	s3 =	sand.u32 $0x4000, s31;
	s1 =	sadd.s32 s1, s30  }
0xc0: {  	s0 =	sor.u32 s3, s0;
	s1 =	sshll.u32 s1, $0x11  }
0xc1: {  	s0 =	sor.u32 s1, s0  }
0xc2: {  	s0 =	sadd.s32 $0x8F2B, s0  }
0xc3: {  	[sflag:s0] =	ssyncadd.remote.s32 $0x1  }
0xc4: {  	_ =	sfence.sel $0xFFFF  }
0xc5: {  	[dreg:$0x0] =	wrdreg $0xFFFFFFFF;
	(pc) =	sbr.abs _section_cstart, $3  }
0xc6: {  	[dreg:$0x1] =	wrdreg $0xFFFFFFFF  }
0xc7: {  	_ =	task.clear_ibuf [dreg:s7], $0x2FFFF;
	_ =	strace $0x9FFFFFFF  }
0xc8: {  	(tm) =	ssettm $0x7FFFFFFF  }
0xc9: {  	_ =	shalt  }
tec
execute0_lowered:
.L_overlay_start_1:
0x0: {  	(tag) =	ssettag $0x1  }
0x1: {  	s1 =	srdreg.scid  }
0x2: {  	s17 =	rddreg [dreg:$0x0];
	s0 =	stileid.u32  }
0x3: {  	s8 =	rddreg [dreg:$0x1];
	s2 =	simm.s32 $0x0;
	s22 =	sand.u32 $0x1, s1  }
0x4: {  	s3 =	sshll.u32 s0, $0xA;
	s1 =	rddreg [dreg:$0x2];
	s4 =	sshll.u32 s22, $0x9  }
0x5: {  	s5 =	simm.s32 $0x80;
	[smem:$0x7FF] =	sst s2;
	s18 =	sor.u32 s4, s3  }
0x6: {  	_ =	strace $0x80000047;
	s19 =	sor.u32 $0x80, s18;
	s3 =	sshrl.u32 s18, $0x3  }
0x7: {  	s20 =	sor.u32 $0x100, s18;
	s25 =	sshrl.u32 s19, $0x3;
	s3 =	sadd.s32 s8, s3  }
0x8: {  	[tilespmem:s2], [sflag:$0x2] =	stream.linear.gather [hbm4b:s3+s2], $0x80, $0x38;
	[tilespmem:$0x10200] =	vst v63  }
0x9: {  	s21 =	sor.u32 $0x180, s18;
	s6 =	sshrl.u32 s20, $0x3;
	s4 =	sadd.s32 s8, s25  }
0xa: {  	[tilespmem:s5], [sflag:$0x2] =	stream.linear.gather [hbm4b:s4+s2], $0x80, $0x38;
	[tilespmem:$0x10200] =	vst v63  }
0xb: {  	s7 =	simm.s32 $0x100;
	s9 =	sshrl.u32 s21, $0x3;
	s6 =	sadd.s32 s8, s6  }
0xc: {  	[tilespmem:s7], [sflag:$0x2] =	stream.linear.gather [hbm4b:s6+s2], $0x80, $0x38;
	[tilespmem:$0x10200] =	vst v63  }
0xd: {  	s10 =	simm.s32 $0x2;
	s8 =	sadd.s32 s8, s9;
	s9 =	simm.s32 $0x180  }
0xe: {  	[tilespmem:s9], [sflag:$0x2] =	stream.linear.gather [hbm4b:s8+s2], $0x80, $0x38;
	[tilespmem:$0x10200] =	vst v63  }
0xf: {  	_ =	swait.ge [sflag:s10], $0x80  }
0x10: {  	[sflag:s10] =	ssyncset.done $0x0  }
0x11: {  	[sflag:s10] =	ssyncadd.s32 $0xFFFFFF80  }
0x12: {  	_ =	swait.ge [sflag:s10], $0x80  }
0x13: {  	[sflag:s10] =	ssyncset.done $0x0  }
0x14: {  	[sflag:s10] =	ssyncadd.s32 $0xFFFFFF80  }
0x15: {  	_ =	swait.ge [sflag:s10], $0x80  }
0x16: {  	[sflag:s10] =	ssyncset.done $0x0  }
0x17: {  	[sflag:s10] =	ssyncadd.s32 $0xFFFFFF80  }
0x18: {  	_ =	swait.ge [sflag:s10], $0x80  }
0x19: {  	[sflag:s10] =	ssyncset.done $0x0  }
0x1a: {  	s12 =	simm.s32 $0x200;
	s11 =	sadd.s32 $0xE00, s17;
	[sflag:s10] =	ssyncadd.s32 $0xFFFFFF80  }
0x1b: {  	[tilespmem:s12], [sflag:$0x1] =	stream.indirect.gather [hbm4b:s11+s5], $0x80, s2, s5, $0xb8;
	[tilespmem:$0x10200] =	vst v63  }
0x1c: {  	s13 =	simm.s32 $0x4200  }
0x1d: {  	[tilespmem:s13], [sflag:$0x1] =	stream.indirect.gather [hbm4b:s11+s5], $0x80, s5, s5, $0xb8;
	[tilespmem:$0x10200] =	vst v63  }
0x1e: {  	s14 =	simm.s32 $0x8200  }
0x1f: {  	[tilespmem:s14], [sflag:$0x1] =	stream.indirect.gather [hbm4b:s11+s5], $0x80, s7, s5, $0xb8;
	[tilespmem:$0x10200] =	vst v63  }
0x20: {  	s15 =	simm.s32 $0xC200;
	s16 =	simm.s32 $0x1  }
0x21: {  	[tilespmem:s15], [sflag:$0x1] =	stream.indirect.gather [hbm4b:s11+s5], $0x80, s9, s5, $0xb8;
	[tilespmem:$0x10200] =	vst v63  }
0x22: {  	_ =	swait.ge [sflag:s16], $0x4000  }
0x23: {  	s23 =	sadd.s32 $0x40E00, s17;
	s26 =	sshll.u32 s18, $0x4;
	[sflag:s16] =	ssyncset.done $0x0  }
0x24: {  	s17 =	sadd.s32 s23, s26;
	[sflag:s16] =	ssyncadd.s32 $0xFFFFC000  }
0x25: {  	[hbm4b:s17+s2] =	stream.linear.scatter [tilespmem:s12], [sflag:$0x3], $0x4000, $0x38;
	[tilespmem:$0x10200] =	vst v63  }
0x26: {  	_ =	swait.ge [sflag:s16], $0x4000  }
0x27: {  	s28 =	sshll.u32 s19, $0x4;
	[sflag:s16] =	ssyncset.done $0x0  }
0x28: {  	s18 =	sadd.s32 s23, s28;
	[sflag:s16] =	ssyncadd.s32 $0xFFFFC000  }
0x29: {  	[hbm4b:s18+s2] =	stream.linear.scatter [tilespmem:s13], [sflag:$0x3], $0x4000, $0x38;
	[tilespmem:$0x10200] =	vst v63  }
0x2a: {  	_ =	swait.ge [sflag:s16], $0x4000  }
0x2b: {  	s29 =	sshll.u32 s20, $0x4;
	[sflag:s16] =	ssyncset.done $0x0  }
0x2c: {  	s19 =	sadd.s32 s23, s29;
	[sflag:s16] =	ssyncadd.s32 $0xFFFFC000  }
0x2d: {  	[hbm4b:s19+s2] =	stream.linear.scatter [tilespmem:s14], [sflag:$0x3], $0x4000, $0x38;
	[tilespmem:$0x10200] =	vst v63  }
0x2e: {  	_ =	swait.ge [sflag:s16], $0x4000  }
0x2f: {  	s30 =	sshll.u32 s21, $0x4;
	[sflag:s16] =	ssyncset.done $0x0  }
0x30: {  	s20 =	simm.s32 $0x3;
	s21 =	sadd.s32 s23, s30;
	[sflag:s16] =	ssyncadd.s32 $0xFFFFC000  }
0x31: {  	[hbm4b:s21+s2] =	stream.linear.scatter [tilespmem:s15], [sflag:$0x3], $0x4000, $0x38;
	[tilespmem:$0x10200] =	vst v63  }
0x32: {  	_ =	swait.ge [sflag:s20], $0x4000  }
0x33: {  	s22 =	ssub.s32 $0x2, s22;
	[sflag:s20] =	ssyncset.done $0x0  }
0x34: {  	s31 =	sshrl.u32 s22, $0x1;
	[sflag:s20] =	ssyncadd.s32 $0xFFFFC000  }
0x35: {  	s22 =	ssub.s32 s22, s31;
	_ =	swait.ge [sflag:s20], $0x4000  }
0x36: {  	s22 =	smax.u32 s22, $0x1;
	[sflag:s20] =	ssyncset.done $0x0  }
0x37: {  	p0 =	sne.s32 s22, $0x1;
	[sflag:s20] =	ssyncadd.s32 $0xFFFFC000  }
.Ltmp0:
0x38: {  	_ =	swait.ge [sflag:s20], $0x4000;
	(pc) =	sbr.rel @!p0 .LBB2_2-.Ltmp0, $4  }
0x39: {  	[sflag:s20] =	ssyncset.done $0x0  }
0x3a: {  	[sflag:s20] =	ssyncadd.s32 $0xFFFFC000  }
0x3b: {  	_ =	swait.ge [sflag:s20], $0x4000  }
0x3c: {  	s22 =	sadd.s32 $0xFFFFFFFF, s22;
	[sflag:s20] =	ssyncset.done $0x0  }
.LBB2_1:
0x3d: {  	p0 =	sne.s32 s22, $0x1;
	s22 =	sadd.s32 $0xFFFFFFFF, s22;
	[sflag:s20] =	ssyncadd.s32 $0xFFFFC000  }
0x3e: {  	[tilespmem:s2], [sflag:$0x2] =	stream.linear.gather [hbm4b:s3+s2], $0x80, $0x38;
	[tilespmem:$0x10200] =	vst v63  }
0x3f: {  	_ = 	snop  }
0x40: {  	[tilespmem:s5], [sflag:$0x2] =	stream.linear.gather [hbm4b:s4+s2], $0x80, $0x38;
	[tilespmem:$0x10200] =	vst v63  }
0x41: {  	_ = 	snop  }
0x42: {  	[tilespmem:s7], [sflag:$0x2] =	stream.linear.gather [hbm4b:s6+s2], $0x80, $0x38;
	[tilespmem:$0x10200] =	vst v63  }
0x43: {  	_ = 	snop  }
0x44: {  	[tilespmem:s9], [sflag:$0x2] =	stream.linear.gather [hbm4b:s8+s2], $0x80, $0x38;
	[tilespmem:$0x10200] =	vst v63  }
0x45: {  	_ =	swait.ge [sflag:s10], $0x80  }
0x46: {  	[sflag:s10] =	ssyncset.done $0x0  }
0x47: {  	[sflag:s10] =	ssyncadd.s32 $0xFFFFFF80  }
0x48: {  	_ =	swait.ge [sflag:s10], $0x80  }
0x49: {  	[sflag:s10] =	ssyncset.done $0x0  }
0x4a: {  	[sflag:s10] =	ssyncadd.s32 $0xFFFFFF80  }
0x4b: {  	_ =	swait.ge [sflag:s10], $0x80  }
0x4c: {  	[sflag:s10] =	ssyncset.done $0x0  }
0x4d: {  	[sflag:s10] =	ssyncadd.s32 $0xFFFFFF80  }
0x4e: {  	_ =	swait.ge [sflag:s10], $0x80  }
0x4f: {  	[sflag:s10] =	ssyncset.done $0x0  }
0x50: {  	[sflag:s10] =	ssyncadd.s32 $0xFFFFFF80  }
0x51: {  	[tilespmem:s12], [sflag:$0x1] =	stream.indirect.gather [hbm4b:s11+s5], $0x80, s2, s5, $0xb8;
	[tilespmem:$0x10200] =	vst v63  }
0x52: {  	_ = 	snop  }
0x53: {  	[tilespmem:s13], [sflag:$0x1] =	stream.indirect.gather [hbm4b:s11+s5], $0x80, s5, s5, $0xb8;
	[tilespmem:$0x10200] =	vst v63  }
0x54: {  	_ = 	snop  }
0x55: {  	[tilespmem:s14], [sflag:$0x1] =	stream.indirect.gather [hbm4b:s11+s5], $0x80, s7, s5, $0xb8;
	[tilespmem:$0x10200] =	vst v63  }
0x56: {  	_ = 	snop  }
0x57: {  	[tilespmem:s15], [sflag:$0x1] =	stream.indirect.gather [hbm4b:s11+s5], $0x80, s9, s5, $0xb8;
	[tilespmem:$0x10200] =	vst v63  }
0x58: {  	_ =	swait.ge [sflag:s16], $0x4000  }
0x59: {  	[sflag:s16] =	ssyncset.done $0x0  }
0x5a: {  	[sflag:s16] =	ssyncadd.s32 $0xFFFFC000  }
0x5b: {  	[hbm4b:s17+s2] =	stream.linear.scatter [tilespmem:s12], [sflag:$0x3], $0x4000, $0x38;
	[tilespmem:$0x10200] =	vst v63  }
0x5c: {  	_ =	swait.ge [sflag:s16], $0x4000  }
0x5d: {  	[sflag:s16] =	ssyncset.done $0x0  }
0x5e: {  	[sflag:s16] =	ssyncadd.s32 $0xFFFFC000  }
0x5f: {  	[hbm4b:s18+s2] =	stream.linear.scatter [tilespmem:s13], [sflag:$0x3], $0x4000, $0x38;
	[tilespmem:$0x10200] =	vst v63  }
0x60: {  	_ =	swait.ge [sflag:s16], $0x4000  }
0x61: {  	[sflag:s16] =	ssyncset.done $0x0  }
0x62: {  	[sflag:s16] =	ssyncadd.s32 $0xFFFFC000  }
0x63: {  	[hbm4b:s19+s2] =	stream.linear.scatter [tilespmem:s14], [sflag:$0x3], $0x4000, $0x38;
	[tilespmem:$0x10200] =	vst v63  }
0x64: {  	_ =	swait.ge [sflag:s16], $0x4000  }
0x65: {  	[sflag:s16] =	ssyncset.done $0x0  }
0x66: {  	[sflag:s16] =	ssyncadd.s32 $0xFFFFC000  }
0x67: {  	[hbm4b:s21+s2] =	stream.linear.scatter [tilespmem:s15], [sflag:$0x3], $0x4000, $0x38;
	[tilespmem:$0x10200] =	vst v63  }
0x68: {  	_ =	swait.ge [sflag:s20], $0x4000  }
0x69: {  	[sflag:s20] =	ssyncset.done $0x0  }
0x6a: {  	[sflag:s20] =	ssyncadd.s32 $0xFFFFC000  }
0x6b: {  	_ =	swait.ge [sflag:s20], $0x4000  }
0x6c: {  	[sflag:s20] =	ssyncset.done $0x0  }
0x6d: {  	[sflag:s20] =	ssyncadd.s32 $0xFFFFC000  }
.Ltmp1:
0x6e: {  	_ =	swait.ge [sflag:s20], $0x4000;
	(pc) =	sbr.rel @p0 .LBB2_1-.Ltmp1, $4  }
0x6f: {  	[sflag:s20] =	ssyncset.done $0x0  }
0x70: {  	[sflag:s20] =	ssyncadd.s32 $0xFFFFC000  }
0x71: {  	_ =	swait.ge [sflag:s20], $0x4000  }
0x72: {  	[sflag:s20] =	ssyncset.done $0x0  }
.LBB2_2:
0x73: {  	[sflag:s20] =	ssyncadd.s32 $0xFFFFC000  }
0x74: {  	_ =	sfence.sel $0x180000  }
0x75: {  	[bflag:$0x0] =	sbarrier.arrive $0xFFFF  }
0x76: {  	p0 =	sne.s32 s0, $0x0;
	_ =	strace $0x90000047  }
0x77: {  	s0 =	sadd.s32 @!p0 $0x100000, s1;
	[bflag:$0x2] =	sbarrier.arrive $0xFFFF  }
0x78: {  	[sflag:s0] =	ssyncadd.tile.s32 @!p0 $0x1;
	_ =	shalt  }
.Lfunc_end2:
_tile_overlayer_lowered:
.L_overlay_start_2:
0x79: {  	(tag) =	ssettag $0x2  }
0x7a: {  	s0 =	rddreg [dreg:$0x0];
	s2 =	stileid.u32  }
0x7b: {  	s1 =	rddreg [dreg:$0x1];
	p0 =	sne.s32 s2, $0x0  }
0x7c: {  	s3 =	rddreg [dreg:$0x2];
	[bflag:$0x3] =	sbarrier.arrive $0xFFFF;
	s2 =	simm.s32 @!p0 $0x1C04  }
0x7d: {  	[timem:s3], [sflag:s2] =	dma.local @!p0 [hbm:s0], s1  }
0x7e: {  	s0 =	simm.s32 @!p0 $0x4  }
0x7f: {  	_ =	swait.ge @!p0 [sflag:s0], s1  }
0x80: {  	s1 =	ssub.s32 @!p0 $0x0, s1;
	[sflag:s0] =	ssyncset.done @!p0 $0x0  }
0x81: {  	[sflag:s0] =	ssyncadd.s32 @!p0 s1  }
0x82: {  	[bflag:$0x3] =	sbarrier.arrive $0xFFFF  }
0x83: {  	_ =	shalt  }

</sc_bundles>
